<compile_context>
chip_gen: v7x
topology: tpu7x:2x2x1
jax: 0.10.2.dev20260603
libtpu: 0.0.44.dev20260713+nightly
codegen_flags: <defaults>
</compile_context>

<pallas_src>
import functools

import jax
import jax.numpy as jnp
from jax import lax
from jax.experimental import pallas as pl
from jax.experimental.pallas import tpu as pltpu
from jax.experimental.pallas import tpu_sc as plsc

_B = 64
_H = 2048
_V = 32000
_K = 8
_VB = 1280
_NB = _V // _VB

_NEG_INF = float("-inf")
_IMAX = 2**31 - 1


def _extract_topk(vals, idxs, k):
    outs_v, outs_i = [], []
    for _ in range(k):
        mv = jnp.max(vals, axis=1, keepdims=True)
        mi = jnp.min(jnp.where(vals == mv, idxs, _IMAX), axis=1, keepdims=True)
        outs_v.append(mv)
        outs_i.append(mi)
        vals = jnp.where(idxs == mi, _NEG_INF, vals)
    return jnp.concatenate(outs_v, axis=1), jnp.concatenate(outs_i, axis=1)


def _tc_body(hs_ref, w_ref, topi_out, scores_out, m_ref, s_ref, tv_ref, ti_ref):
    j = pl.program_id(0)

    @pl.when(j == 0)
    def _():
        m_ref[...] = jnp.full((_B, 128), -jnp.inf, jnp.float32)
        s_ref[...] = jnp.zeros((_B, 128), jnp.float32)
        tv_ref[...] = jnp.full((_K, _B, 128), -jnp.inf, jnp.float32)
        ti_ref[...] = jnp.zeros((_K, _B, 128), jnp.int32)

    block = lax.dot_general(
        hs_ref[...], w_ref[...],
        (((1,), (1,)), ((), ())),
        preferred_element_type=jnp.float32,
    )

    tv = [tv_ref[r] for r in range(_K)]
    ti = [ti_ref[r] for r in range(_K)]
    lane = lax.broadcasted_iota(jnp.int32, (_B, 128), 1)
    for s in range(_VB // 128):
        new_v = block[:, s * 128:(s + 1) * 128]
        new_i = (j * _VB + s * 128) + lane
        for r in range(_K):
            gt = new_v > tv[r]
            keep_v, keep_i = tv[r], ti[r]
            tv[r] = jnp.where(gt, new_v, keep_v)
            ti[r] = jnp.where(gt, new_i, keep_i)
            new_v = jnp.where(gt, keep_v, new_v)
            new_i = jnp.where(gt, keep_i, new_i)
    for r in range(_K):
        tv_ref[r] = tv[r]
        ti_ref[r] = ti[r]

    m_prev = m_ref[:, 0:1]
    new_m = jnp.max(tv[0], axis=1, keepdims=True)
    bs = jnp.sum(jnp.exp(block - new_m), axis=1, keepdims=True)
    s_run = s_ref[:, 0:1] * jnp.exp(m_prev - new_m) + bs
    m_ref[:, 0:1] = new_m
    s_ref[:, 0:1] = s_run

    @pl.when(j == _NB - 1)
    def _():
        cv = jnp.concatenate(tv, axis=1)
        ci = jnp.concatenate(ti, axis=1)
        nv, ni = _extract_topk(cv, ci, _K)
        lse = new_m + jnp.log(s_run)
        scores_out[...] = nv - lse
        topi_out[...] = ni


def _tc_topk(hidden_states, w_lm):
    return pl.pallas_call(
        _tc_body,
        grid=(_NB,),
        in_specs=[
            pl.BlockSpec((_B, _H), lambda j: (0, 0)),
            pl.BlockSpec((_VB, _H), lambda j: (j, 0)),
        ],
        out_specs=[
            pl.BlockSpec((_B, _K), lambda j: (0, 0)),
            pl.BlockSpec((_B, _K), lambda j: (0, 0)),
        ],
        out_shape=[
            jax.ShapeDtypeStruct((_B, _K), jnp.int32),
            jax.ShapeDtypeStruct((_B, _K), jnp.float32),
        ],
        scratch_shapes=[
            pltpu.VMEM((_B, 128), jnp.float32),
            pltpu.VMEM((_B, 128), jnp.float32),
            pltpu.VMEM((_K, _B, 128), jnp.float32),
            pltpu.VMEM((_K, _B, 128), jnp.int32),
        ],
        compiler_params=pltpu.CompilerParams(
            dimension_semantics=("arbitrary",)),
    )(hidden_states, w_lm)


_N_IDX = _B * _K


_PER_TILE = _N_IDX // 16


def _sc_remap_body(d2t_hbm, idx_hbm, out_hbm, idx_v, val_v, out_v, sem):
    base = lax.axis_index("s") * _PER_TILE
    pltpu.sync_copy(idx_hbm.at[pl.ds(base, _PER_TILE)], idx_v)
    pltpu.async_copy(d2t_hbm.at[idx_v], val_v, sem).wait()
    for c in range(_PER_TILE // 16):
        sl = pl.ds(c * 16, 16)
        out_v[sl] = idx_v[sl] + val_v[sl]
    pltpu.sync_copy(out_v, out_hbm.at[pl.ds(base, _PER_TILE)])


@functools.cache
def _sc_remap():
    mesh = plsc.VectorSubcoreMesh(
        core_axis_name="c", subcore_axis_name="s", num_cores=1)
    return pl.kernel(
        _sc_remap_body,
        mesh=mesh,
        out_type=jax.ShapeDtypeStruct((_N_IDX,), jnp.int32),
        scratch_types=[
            pltpu.VMEM((_PER_TILE,), jnp.int32),
            pltpu.VMEM((_PER_TILE,), jnp.int32),
            pltpu.VMEM((_PER_TILE,), jnp.int32),
            pltpu.SemaphoreType.DMA,
        ],
    )


def kernel(hidden_states, d2t, W_lm):
    topi, scores = _tc_topk(hidden_states, W_lm)
    mapped = _sc_remap()(d2t, topi.reshape(-1)).reshape(_B, _K)
    return mapped, scores

# --- scband reference (transcript-rebuilt; emitter-appended) ---
"""Pipeline reference for scband-base-eagle3-drafter-18004502905032 (READ-ONLY COPY).

The authoritative reference and input builder live on the scoring server;
editing this copy changes nothing except your own understanding.
"""

import jax, jax.numpy as jnp
import numpy as np

B = 64
H = 2048
V_DRAFT = 32000
V_TARGET = 100000
TOPK = 8


def setup_inputs(seed: int = 0) -> dict:
    key = jax.random.key(seed)
    k1, k2, k3 = jax.random.split(key, 3)
    hidden_states = jax.random.normal(k1, (B, H), dtype=jnp.float32)
    # lm_head weight (learned param): [draft_vocab, hidden]
    W_lm = jax.random.normal(k2, (V_DRAFT, H), dtype=jnp.float32) * 0.02
    # d2t buffer: per-draft-token offset so that draft_id + d2t[draft_id] = target_id
    d2t = jax.random.randint(k3, (V_DRAFT,), 0, V_TARGET - V_DRAFT, dtype=jnp.int32)
    return {"hidden_states": hidden_states, "d2t": d2t, "W_lm": W_lm}


def reference(hidden_states, d2t, W_lm):
    """Eagle3 drafter top-k token generation step (_get_topk_tokens + d2t remap).

    logits = lm_head(hidden); log-softmax; top-k; map draft ids to target ids
    via the d2t offset buffer (the topk_masking core of topK_genrate).
    """
    logits = hidden_states @ W_lm.T                      # [B, V_DRAFT]
    logp = jax.nn.log_softmax(logits, axis=-1)           # LogSoftmax(dim=-1)
    scores, topk_index = jax.lax.top_k(logp, TOPK)       # [B, TOPK] each
    # mapped_tokens = topk_index + d2t[topk_index]
    mapped_tokens = topk_index + jnp.take(d2t, topk_index, axis=0)
    return mapped_tokens, scores

if __name__ == "__main__":
    import jax
    _d = setup_inputs()
    print(jax.jit(kernel)(*tuple(_d.values())))

</pallas_src>

<mosaic_0001>
#map = affine_map<(d0, d1) -> (0)>
module attributes {stable_mosaic.version = 14 : i64} {
  func.func @_sc_remap_body(%arg0: i32, %arg1: i32, %arg2: memref<32000xi32, #tpu.memory_space<hbm>>, %arg3: memref<512xi32, #tpu.memory_space<hbm>>, %arg4: memref<512xi32, #tpu.memory_space<hbm>>, %arg5: memref<32xi32, #tpu.memory_space<vmem>>, %arg6: memref<32xi32, #tpu.memory_space<vmem>>, %arg7: memref<32xi32, #tpu.memory_space<vmem>>, %arg8: memref<!tpu.dma_semaphore, #tpu.memory_space<semaphore_mem>>) attributes {dimension_semantics = [#tpu.dimension_semantics<core_parallel>, #tpu.dimension_semantics<subcore_parallel>], iteration_bounds = array<i64: 1, 16>, scalar_prefetch = 0 : i64, scratch_operands = 4 : i64, tpu.core_type = #tpu.core_type<sc_vector_subcore>, window_params = [{transform_indices = #map}, {transform_indices = #map}, {transform_indices = #map}]} {
    %mul3A = arith.constant 32 : i32
    %mul3A_0 = arith.muli %arg1, %mul3A : i32
    "tpu.region"() ({
      %run_scoped3A = tpu.sem_alloc : memref<!tpu.dma_semaphore, #tpu.memory_space<semaphore_mem>>
      %dma_start3A_22 = tpu.memref_slice %arg3[%mul3A_0] : memref<512xi32, #tpu.memory_space<hbm>> -> memref<32xi32, #tpu.memory_space<hbm>>
      %dma_start3A_23 = tpu.memref_slice %arg3[%mul3A_0] : memref<512xi32, #tpu.memory_space<hbm>> -> memref<32xi32, #tpu.memory_space<hbm>>
      tpu.enqueue_dma source(%dma_start3A_23 : memref<32xi32, #tpu.memory_space<hbm>>) target(%arg5 : memref<32xi32, #tpu.memory_space<vmem>>) target_semaphore(%run_scoped3A : memref<!tpu.dma_semaphore, #tpu.memory_space<semaphore_mem>>)
      %dma_wait3A_24 = tpu.memref_slice %arg3[%mul3A_0] : memref<512xi32, #tpu.memory_space<hbm>> -> memref<32xi32, #tpu.memory_space<hbm>>
      %dma_wait3A_25 = tpu.memref_slice %arg3[%mul3A_0] : memref<512xi32, #tpu.memory_space<hbm>> -> memref<32xi32, #tpu.memory_space<hbm>>
      tpu.wait_dma2 semaphore(%run_scoped3A : memref<!tpu.dma_semaphore, #tpu.memory_space<semaphore_mem>>) src(%dma_wait3A_25 : memref<32xi32, #tpu.memory_space<hbm>>) dst(%arg5 : memref<32xi32, #tpu.memory_space<vmem>>)
      tpu.yield
    }) : () -> ()
    %dma_start3A = arith.constant 0 : i32
    %dma_start3A_1 = tpu.memref_slice %arg2[%dma_start3A] : memref<32000xi32, #tpu.memory_space<hbm>> -> memref<32000xi32, #tpu.memory_space<hbm>>
    tpu.enqueue_indirect_dma source(%dma_start3A_1 : memref<32000xi32, #tpu.memory_space<hbm>>) target(%arg6 : memref<32xi32, #tpu.memory_space<vmem>>) offsets(%arg5 : memref<32xi32, #tpu.memory_space<vmem>>) semaphore(%arg8 : memref<!tpu.dma_semaphore, #tpu.memory_space<semaphore_mem>>)
    %dma_wait3A = arith.constant 0 : i32
    %dma_wait3A_2 = tpu.memref_slice %arg2[%dma_wait3A] : memref<32000xi32, #tpu.memory_space<hbm>> -> memref<32000xi32, #tpu.memory_space<hbm>>
    tpu.wait_indirect_dma semaphore(%arg8 : memref<!tpu.dma_semaphore, #tpu.memory_space<semaphore_mem>>) src(%dma_wait3A_2 : memref<32000xi32, #tpu.memory_space<hbm>>) dst(%arg6 : memref<32xi32, #tpu.memory_space<vmem>>)
    %get3A = arith.constant 0 : index
    %get3A_3 = tpu.vector_load %arg5[%get3A] {strides = array<i32>} : memref<32xi32, #tpu.memory_space<vmem>>, vector<16xi32>,
    %get3A_4 = vector.shape_cast %get3A_3 : vector<16xi32> to vector<16xi32>
    %get3A_5 = arith.constant 0 : index
    %get3A_6 = tpu.vector_load %arg6[%get3A_5] {strides = array<i32>} : memref<32xi32, #tpu.memory_space<vmem>>, vector<16xi32>,
    %get3A_7 = vector.shape_cast %get3A_6 : vector<16xi32> to vector<16xi32>
    %add3A = arith.addi %get3A_4, %get3A_7 : vector<16xi32>
    %swap3A = arith.constant 0 : index
    %swap3A_8 = tpu.vector_load %arg7[%swap3A] {strides = array<i32>} : memref<32xi32, #tpu.memory_space<vmem>>, vector<16xi32>,
    %swap3A_9 = vector.shape_cast %swap3A_8 : vector<16xi32> to vector<16xi32>
    %swap3A_10 = vector.shape_cast %add3A : vector<16xi32> to vector<16xi32>
    tpu.vector_store %arg7[%swap3A], %swap3A_10 {strides = array<i32>} : memref<32xi32, #tpu.memory_space<vmem>>, vector<16xi32>,
    %get3A_11 = arith.constant 16 : index
    %get3A_12 = tpu.vector_load %arg5[%get3A_11] {strides = array<i32>} : memref<32xi32, #tpu.memory_space<vmem>>, vector<16xi32>,
    %get3A_13 = vector.shape_cast %get3A_12 : vector<16xi32> to vector<16xi32>
    %get3A_14 = arith.constant 16 : index
    %get3A_15 = tpu.vector_load %arg6[%get3A_14] {strides = array<i32>} : memref<32xi32, #tpu.memory_space<vmem>>, vector<16xi32>,
    %get3A_16 = vector.shape_cast %get3A_15 : vector<16xi32> to vector<16xi32>
    %add3A_17 = arith.addi %get3A_13, %get3A_16 : vector<16xi32>
    %swap3A_18 = arith.constant 16 : index
    %swap3A_19 = tpu.vector_load %arg7[%swap3A_18] {strides = array<i32>} : memref<32xi32, #tpu.memory_space<vmem>>, vector<16xi32>,
    %swap3A_20 = vector.shape_cast %swap3A_19 : vector<16xi32> to vector<16xi32>
    %swap3A_21 = vector.shape_cast %add3A_17 : vector<16xi32> to vector<16xi32>
    tpu.vector_store %arg7[%swap3A_18], %swap3A_21 {strides = array<i32>} : memref<32xi32, #tpu.memory_space<vmem>>, vector<16xi32>,
    "tpu.region"() ({
      %run_scoped3A = tpu.sem_alloc : memref<!tpu.dma_semaphore, #tpu.memory_space<semaphore_mem>>
      %dma_start3A_22 = tpu.memref_slice %arg4[%mul3A_0] : memref<512xi32, #tpu.memory_space<hbm>> -> memref<32xi32, #tpu.memory_space<hbm>>
      %dma_start3A_23 = tpu.memref_slice %arg4[%mul3A_0] : memref<512xi32, #tpu.memory_space<hbm>> -> memref<32xi32, #tpu.memory_space<hbm>>
      tpu.enqueue_dma source(%arg7 : memref<32xi32, #tpu.memory_space<vmem>>) target(%dma_start3A_23 : memref<32xi32, #tpu.memory_space<hbm>>) target_semaphore(%run_scoped3A : memref<!tpu.dma_semaphore, #tpu.memory_space<semaphore_mem>>)
      %dma_wait3A_24 = tpu.memref_slice %arg4[%mul3A_0] : memref<512xi32, #tpu.memory_space<hbm>> -> memref<32xi32, #tpu.memory_space<hbm>>
      %dma_wait3A_25 = tpu.memref_slice %arg4[%mul3A_0] : memref<512xi32, #tpu.memory_space<hbm>> -> memref<32xi32, #tpu.memory_space<hbm>>
      tpu.wait_dma2 semaphore(%run_scoped3A : memref<!tpu.dma_semaphore, #tpu.memory_space<semaphore_mem>>) src(%arg7 : memref<32xi32, #tpu.memory_space<vmem>>) dst(%dma_wait3A_25 : memref<32xi32, #tpu.memory_space<hbm>>)
      tpu.yield
    }) : () -> ()
    return
  }
}

module attributes {stable_mosaic.version = 14 : i64} {
  func.func @_tc_body(%arg0: i32, %arg1: memref<64x2048xf32, #tpu.memory_space<vmem>>, %arg2: memref<1280x2048xf32, #tpu.memory_space<vmem>>, %arg3: memref<64x8xi32, #tpu.memory_space<vmem>>, %arg4: memref<64x8xf32, #tpu.memory_space<vmem>>, %arg5: memref<64x128xf32, #tpu.memory_space<vmem>>, %arg6: memref<64x128xf32, #tpu.memory_space<vmem>>, %arg7: memref<8x64x128xf32, #tpu.memory_space<vmem>>, %arg8: memref<8x64x128xi32, #tpu.memory_space<vmem>>) attributes {dimension_semantics = [#tpu.dimension_semantics<arbitrary>], iteration_bounds = array<i64: 25>, scalar_prefetch = 0 : i64, scratch_operands = 4 : i64, tpu.core_type = #tpu.core_type<tc>, window_params = [{pipeline_mode = #tpu.pipeline_mode<synchronous>, transform_indices = @transform_0, window_bounds = array<i64: 64, 2048>}, {transform_indices = @transform_1, window_bounds = array<i64: 1280, 2048>}, {pipeline_mode = #tpu.pipeline_mode<synchronous>, transform_indices = @transform_2, window_bounds = array<i64: 64, 8>}, {pipeline_mode = #tpu.pipeline_mode<synchronous>, transform_indices = @transform_3, window_bounds = array<i64: 64, 8>}]} {
    %eq3A = arith.constant 0 : i32
    %eq3A_0 = arith.cmpi eq, %arg0, %eq3A : i32
    %convert_element_type3A = arith.extui %eq3A_0 : i1 to i32
    %cond3A = arith.constant 0 : i32
    %cond3A_1 = arith.cmpi ne, %convert_element_type3A, %cond3A : i32
    scf.if %cond3A_1 {
      %broadcast_in_dim3A_653 = arith.constant 0xFF800000 : f32
      %broadcast_in_dim3A_654 = vector.broadcast %broadcast_in_dim3A_653 : f32 to vector<64x128xf32>
      %swap3A_655 = arith.constant 0 : index
      %swap3A_656 = arith.constant 0 : index
      %swap3A_657 = vector.load %arg5[%swap3A_655, %swap3A_656] : memref<64x128xf32, #tpu.memory_space<vmem>>, vector<64x128xf32>
      tpu.vector_store %arg5[%swap3A_655, %swap3A_656], %broadcast_in_dim3A_654 {strides = array<i32>} : memref<64x128xf32, #tpu.memory_space<vmem>>, vector<64x128xf32>,
      %broadcast_in_dim3A_658 = arith.constant 0.000000e+00 : f32
      %broadcast_in_dim3A_659 = vector.broadcast %broadcast_in_dim3A_658 : f32 to vector<64x128xf32>
      %swap3A_660 = arith.constant 0 : index
      %swap3A_661 = arith.constant 0 : index
      %swap3A_662 = vector.load %arg6[%swap3A_660, %swap3A_661] : memref<64x128xf32, #tpu.memory_space<vmem>>, vector<64x128xf32>
      tpu.vector_store %arg6[%swap3A_660, %swap3A_661], %broadcast_in_dim3A_659 {strides = array<i32>} : memref<64x128xf32, #tpu.memory_space<vmem>>, vector<64x128xf32>,
      %broadcast_in_dim3A_663 = arith.constant 0xFF800000 : f32
      %broadcast_in_dim3A_664 = vector.broadcast %broadcast_in_dim3A_663 : f32 to vector<8x64x128xf32>
      %swap3A_665 = arith.constant 0 : index
      %swap3A_666 = arith.constant 0 : index
      %swap3A_667 = arith.constant 0 : index
      %swap3A_668 = vector.load %arg7[%swap3A_665, %swap3A_666, %swap3A_667] : memref<8x64x128xf32, #tpu.memory_space<vmem>>, vector<8x64x128xf32>
      tpu.vector_store %arg7[%swap3A_665, %swap3A_666, %swap3A_667], %broadcast_in_dim3A_664 {strides = array<i32>} : memref<8x64x128xf32, #tpu.memory_space<vmem>>, vector<8x64x128xf32>,
      %broadcast_in_dim3A_669 = arith.constant 0 : i32
      %broadcast_in_dim3A_670 = vector.broadcast %broadcast_in_dim3A_669 : i32 to vector<8x64x128xi32>
      %swap3A_671 = arith.constant 0 : index
      %swap3A_672 = arith.constant 0 : index
      %swap3A_673 = arith.constant 0 : index
      %swap3A_674 = vector.load %arg8[%swap3A_671, %swap3A_672, %swap3A_673] : memref<8x64x128xi32, #tpu.memory_space<vmem>>, vector<8x64x128xi32>
      tpu.vector_store %arg8[%swap3A_671, %swap3A_672, %swap3A_673], %broadcast_in_dim3A_670 {strides = array<i32>} : memref<8x64x128xi32, #tpu.memory_space<vmem>>, vector<8x64x128xi32>,
    } else {
    }
    %get3A = arith.constant 0 : index
    %get3A_2 = arith.constant 0 : index
    %get3A_3 = vector.load %arg1[%get3A, %get3A_2] : memref<64x2048xf32, #tpu.memory_space<vmem>>, vector<64x2048xf32>
    %get3A_4 = arith.constant 0 : index
    %get3A_5 = arith.constant 0 : index
    %get3A_6 = vector.load %arg2[%get3A_4, %get3A_5] : memref<1280x2048xf32, #tpu.memory_space<vmem>>, vector<1280x2048xf32>
    %dot_general3A = arith.constant dense<0.000000e+00> : vector<64x1280xf32>
    %dot_general3A_7 = tpu.matmul %get3A_3, %get3A_6, %dot_general3A {dimension_numbers = #tpu.dot_dimension_numbers<[1], [1], [0], [0], [0, 0, 1, 0], [], []>, transpose_lhs_hint = false} : vector<64x2048xf32>, vector<1280x2048xf32>, vector<64x1280xf32> -> vector<64x1280xf32>
    %get3A_8 = arith.constant 0 : index
    %get3A_9 = arith.constant 0 : index
    %get3A_10 = arith.constant 0 : index
    %get3A_11 = vector.load %arg7[%get3A_8, %get3A_9, %get3A_10] : memref<8x64x128xf32, #tpu.memory_space<vmem>>, vector<1x64x128xf32>
    %get3A_12 = vector.shape_cast %get3A_11 : vector<1x64x128xf32> to vector<64x128xf32>
    %get3A_13 = arith.constant 1 : index
    %get3A_14 = arith.constant 0 : index
    %get3A_15 = arith.constant 0 : index
    %get3A_16 = vector.load %arg7[%get3A_13, %get3A_14, %get3A_15] : memref<8x64x128xf32, #tpu.memory_space<vmem>>, vector<1x64x128xf32>
    %get3A_17 = vector.shape_cast %get3A_16 : vector<1x64x128xf32> to vector<64x128xf32>
    %get3A_18 = arith.constant 2 : index
    %get3A_19 = arith.constant 0 : index
    %get3A_20 = arith.constant 0 : index
    %get3A_21 = vector.load %arg7[%get3A_18, %get3A_19, %get3A_20] : memref<8x64x128xf32, #tpu.memory_space<vmem>>, vector<1x64x128xf32>
    %get3A_22 = vector.shape_cast %get3A_21 : vector<1x64x128xf32> to vector<64x128xf32>
    %get3A_23 = arith.constant 3 : index
    %get3A_24 = arith.constant 0 : index
    %get3A_25 = arith.constant 0 : index
    %get3A_26 = vector.load %arg7[%get3A_23, %get3A_24, %get3A_25] : memref<8x64x128xf32, #tpu.memory_space<vmem>>, vector<1x64x128xf32>
    %get3A_27 = vector.shape_cast %get3A_26 : vector<1x64x128xf32> to vector<64x128xf32>
    %get3A_28 = arith.constant 4 : index
    %get3A_29 = arith.constant 0 : index
    %get3A_30 = arith.constant 0 : index
    %get3A_31 = vector.load %arg7[%get3A_28, %get3A_29, %get3A_30] : memref<8x64x128xf32, #tpu.memory_space<vmem>>, vector<1x64x128xf32>
    %get3A_32 = vector.shape_cast %get3A_31 : vector<1x64x128xf32> to vector<64x128xf32>
    %get3A_33 = arith.constant 5 : index
    %get3A_34 = arith.constant 0 : index
    %get3A_35 = arith.constant 0 : index
    %get3A_36 = vector.load %arg7[%get3A_33, %get3A_34, %get3A_35] : memref<8x64x128xf32, #tpu.memory_space<vmem>>, vector<1x64x128xf32>
    %get3A_37 = vector.shape_cast %get3A_36 : vector<1x64x128xf32> to vector<64x128xf32>
    %get3A_38 = arith.constant 6 : index
    %get3A_39 = arith.constant 0 : index
    %get3A_40 = arith.constant 0 : index
    %get3A_41 = vector.load %arg7[%get3A_38, %get3A_39, %get3A_40] : memref<8x64x128xf32, #tpu.memory_space<vmem>>, vector<1x64x128xf32>
    %get3A_42 = vector.shape_cast %get3A_41 : vector<1x64x128xf32> to vector<64x128xf32>
    %get3A_43 = arith.constant 7 : index
    %get3A_44 = arith.constant 0 : index
    %get3A_45 = arith.constant 0 : index
    %get3A_46 = vector.load %arg7[%get3A_43, %get3A_44, %get3A_45] : memref<8x64x128xf32, #tpu.memory_space<vmem>>, vector<1x64x128xf32>
    %get3A_47 = vector.shape_cast %get3A_46 : vector<1x64x128xf32> to vector<64x128xf32>
    %get3A_48 = arith.constant 0 : index
    %get3A_49 = arith.constant 0 : index
    %get3A_50 = arith.constant 0 : index
    %get3A_51 = vector.load %arg8[%get3A_48, %get3A_49, %get3A_50] : memref<8x64x128xi32, #tpu.memory_space<vmem>>, vector<1x64x128xi32>
    %get3A_52 = vector.shape_cast %get3A_51 : vector<1x64x128xi32> to vector<64x128xi32>
    %get3A_53 = arith.constant 1 : index
    %get3A_54 = arith.constant 0 : index
    %get3A_55 = arith.constant 0 : index
    %get3A_56 = vector.load %arg8[%get3A_53, %get3A_54, %get3A_55] : memref<8x64x128xi32, #tpu.memory_space<vmem>>, vector<1x64x128xi32>
    %get3A_57 = vector.shape_cast %get3A_56 : vector<1x64x128xi32> to vector<64x128xi32>
    %get3A_58 = arith.constant 2 : index
    %get3A_59 = arith.constant 0 : index
    %get3A_60 = arith.constant 0 : index
    %get3A_61 = vector.load %arg8[%get3A_58, %get3A_59, %get3A_60] : memref<8x64x128xi32, #tpu.memory_space<vmem>>, vector<1x64x128xi32>
    %get3A_62 = vector.shape_cast %get3A_61 : vector<1x64x128xi32> to vector<64x128xi32>
    %get3A_63 = arith.constant 3 : index
    %get3A_64 = arith.constant 0 : index
    %get3A_65 = arith.constant 0 : index
    %get3A_66 = vector.load %arg8[%get3A_63, %get3A_64, %get3A_65] : memref<8x64x128xi32, #tpu.memory_space<vmem>>, vector<1x64x128xi32>
    %get3A_67 = vector.shape_cast %get3A_66 : vector<1x64x128xi32> to vector<64x128xi32>
    %get3A_68 = arith.constant 4 : index
    %get3A_69 = arith.constant 0 : index
    %get3A_70 = arith.constant 0 : index
    %get3A_71 = vector.load %arg8[%get3A_68, %get3A_69, %get3A_70] : memref<8x64x128xi32, #tpu.memory_space<vmem>>, vector<1x64x128xi32>
    %get3A_72 = vector.shape_cast %get3A_71 : vector<1x64x128xi32> to vector<64x128xi32>
    %get3A_73 = arith.constant 5 : index
    %get3A_74 = arith.constant 0 : index
    %get3A_75 = arith.constant 0 : index
    %get3A_76 = vector.load %arg8[%get3A_73, %get3A_74, %get3A_75] : memref<8x64x128xi32, #tpu.memory_space<vmem>>, vector<1x64x128xi32>
    %get3A_77 = vector.shape_cast %get3A_76 : vector<1x64x128xi32> to vector<64x128xi32>
    %get3A_78 = arith.constant 6 : index
    %get3A_79 = arith.constant 0 : index
    %get3A_80 = arith.constant 0 : index
    %get3A_81 = vector.load %arg8[%get3A_78, %get3A_79, %get3A_80] : memref<8x64x128xi32, #tpu.memory_space<vmem>>, vector<1x64x128xi32>
    %get3A_82 = vector.shape_cast %get3A_81 : vector<1x64x128xi32> to vector<64x128xi32>
    %get3A_83 = arith.constant 7 : index
    %get3A_84 = arith.constant 0 : index
    %get3A_85 = arith.constant 0 : index
    %get3A_86 = vector.load %arg8[%get3A_83, %get3A_84, %get3A_85] : memref<8x64x128xi32, #tpu.memory_space<vmem>>, vector<1x64x128xi32>
    %get3A_87 = vector.shape_cast %get3A_86 : vector<1x64x128xi32> to vector<64x128xi32>
    %iota3A = tpu.iota {dimensions = array<i32: 1>} : vector<64x128xi32>
    %slice3A = vector.extract_strided_slice %dot_general3A_7 {offsets = [0, 0], sizes = [64, 128], strides = [1, 1]} : vector<64x1280xf32> to vector<64x128xf32>
    %mul3A = arith.constant 1280 : i32
    %mul3A_88 = arith.muli %arg0, %mul3A : i32
    %add3A = arith.constant 0 : i32
    %add3A_89 = arith.addi %mul3A_88, %add3A : i32
    %add3A_90 = vector.broadcast %add3A_89 : i32 to vector<64x128xi32>
    %add3A_91 = arith.addi %add3A_90, %iota3A : vector<64x128xi32>
    %gt3A = arith.cmpf ogt, %slice3A, %get3A_12 : vector<64x128xf32>
    %select_n3A = arith.select %gt3A, %slice3A, %get3A_12 : vector<64x128xi1>, vector<64x128xf32>
    %select_n3A_92 = arith.select %gt3A, %add3A_91, %get3A_52 : vector<64x128xi1>, vector<64x128xi32>
    %select_n3A_93 = arith.select %gt3A, %get3A_12, %slice3A : vector<64x128xi1>, vector<64x128xf32>
    %select_n3A_94 = arith.select %gt3A, %get3A_52, %add3A_91 : vector<64x128xi1>, vector<64x128xi32>
    %gt3A_95 = arith.cmpf ogt, %select_n3A_93, %get3A_17 : vector<64x128xf32>
    %select_n3A_96 = arith.select %gt3A_95, %select_n3A_93, %get3A_17 : vector<64x128xi1>, vector<64x128xf32>
    %select_n3A_97 = arith.select %gt3A_95, %select_n3A_94, %get3A_57 : vector<64x128xi1>, vector<64x128xi32>
    %select_n3A_98 = arith.select %gt3A_95, %get3A_17, %select_n3A_93 : vector<64x128xi1>, vector<64x128xf32>
    %select_n3A_99 = arith.select %gt3A_95, %get3A_57, %select_n3A_94 : vector<64x128xi1>, vector<64x128xi32>
    %gt3A_100 = arith.cmpf ogt, %select_n3A_98, %get3A_22 : vector<64x128xf32>
    %select_n3A_101 = arith.select %gt3A_100, %select_n3A_98, %get3A_22 : vector<64x128xi1>, vector<64x128xf32>
    %select_n3A_102 = arith.select %gt3A_100, %select_n3A_99, %get3A_62 : vector<64x128xi1>, vector<64x128xi32>
    %select_n3A_103 = arith.select %gt3A_100, %get3A_22, %select_n3A_98 : vector<64x128xi1>, vector<64x128xf32>
    %select_n3A_104 = arith.select %gt3A_100, %get3A_62, %select_n3A_99 : vector<64x128xi1>, vector<64x128xi32>
    %gt3A_105 = arith.cmpf ogt, %select_n3A_103, %get3A_27 : vector<64x128xf32>
    %select_n3A_106 = arith.select %gt3A_105, %select_n3A_103, %get3A_27 : vector<64x128xi1>, vector<64x128xf32>
    %select_n3A_107 = arith.select %gt3A_105, %select_n3A_104, %get3A_67 : vector<64x128xi1>, vector<64x128xi32>
    %select_n3A_108 = arith.select %gt3A_105, %get3A_27, %select_n3A_103 : vector<64x128xi1>, vector<64x128xf32>
    %select_n3A_109 = arith.select %gt3A_105, %get3A_67, %select_n3A_104 : vector<64x128xi1>, vector<64x128xi32>
    %gt3A_110 = arith.cmpf ogt, %select_n3A_108, %get3A_32 : vector<64x128xf32>
    %select_n3A_111 = arith.select %gt3A_110, %select_n3A_108, %get3A_32 : vector<64x128xi1>, vector<64x128xf32>
    %select_n3A_112 = arith.select %gt3A_110, %select_n3A_109, %get3A_72 : vector<64x128xi1>, vector<64x128xi32>
    %select_n3A_113 = arith.select %gt3A_110, %get3A_32, %select_n3A_108 : vector<64x128xi1>, vector<64x128xf32>
    %select_n3A_114 = arith.select %gt3A_110, %get3A_72, %select_n3A_109 : vector<64x128xi1>, vector<64x128xi32>
    %gt3A_115 = arith.cmpf ogt, %select_n3A_113, %get3A_37 : vector<64x128xf32>
    %select_n3A_116 = arith.select %gt3A_115, %select_n3A_113, %get3A_37 : vector<64x128xi1>, vector<64x128xf32>
    %select_n3A_117 = arith.select %gt3A_115, %select_n3A_114, %get3A_77 : vector<64x128xi1>, vector<64x128xi32>
    %select_n3A_118 = arith.select %gt3A_115, %get3A_37, %select_n3A_113 : vector<64x128xi1>, vector<64x128xf32>
    %select_n3A_119 = arith.select %gt3A_115, %get3A_77, %select_n3A_114 : vector<64x128xi1>, vector<64x128xi32>
    %gt3A_120 = arith.cmpf ogt, %select_n3A_118, %get3A_42 : vector<64x128xf32>
    %select_n3A_121 = arith.select %gt3A_120, %select_n3A_118, %get3A_42 : vector<64x128xi1>, vector<64x128xf32>
    %select_n3A_122 = arith.select %gt3A_120, %select_n3A_119, %get3A_82 : vector<64x128xi1>, vector<64x128xi32>
    %select_n3A_123 = arith.select %gt3A_120, %get3A_42, %select_n3A_118 : vector<64x128xi1>, vector<64x128xf32>
    %select_n3A_124 = arith.select %gt3A_120, %get3A_82, %select_n3A_119 : vector<64x128xi1>, vector<64x128xi32>
    %gt3A_125 = arith.cmpf ogt, %select_n3A_123, %get3A_47 : vector<64x128xf32>
    %select_n3A_126 = arith.select %gt3A_125, %select_n3A_123, %get3A_47 : vector<64x128xi1>, vector<64x128xf32>
    %select_n3A_127 = arith.select %gt3A_125, %select_n3A_124, %get3A_87 : vector<64x128xi1>, vector<64x128xi32>
    %slice3A_128 = vector.extract_strided_slice %dot_general3A_7 {offsets = [0, 128], sizes = [64, 128], strides = [1, 1]} : vector<64x1280xf32> to vector<64x128xf32>
    %mul3A_129 = arith.constant 1280 : i32
    %mul3A_130 = arith.muli %arg0, %mul3A_129 : i32
    %add3A_131 = arith.constant 128 : i32
    %add3A_132 = arith.addi %mul3A_130, %add3A_131 : i32
    %add3A_133 = vector.broadcast %add3A_132 : i32 to vector<64x128xi32>
    %add3A_134 = arith.addi %add3A_133, %iota3A : vector<64x128xi32>
    %gt3A_135 = arith.cmpf ogt, %slice3A_128, %select_n3A : vector<64x128xf32>
    %select_n3A_136 = arith.select %gt3A_135, %slice3A_128, %select_n3A : vector<64x128xi1>, vector<64x128xf32>
    %select_n3A_137 = arith.select %gt3A_135, %add3A_134, %select_n3A_92 : vector<64x128xi1>, vector<64x128xi32>
    %select_n3A_138 = arith.select %gt3A_135, %select_n3A, %slice3A_128 : vector<64x128xi1>, vector<64x128xf32>
    %select_n3A_139 = arith.select %gt3A_135, %select_n3A_92, %add3A_134 : vector<64x128xi1>, vector<64x128xi32>
    %gt3A_140 = arith.cmpf ogt, %select_n3A_138, %select_n3A_96 : vector<64x128xf32>
    %select_n3A_141 = arith.select %gt3A_140, %select_n3A_138, %select_n3A_96 : vector<64x128xi1>, vector<64x128xf32>
    %select_n3A_142 = arith.select %gt3A_140, %select_n3A_139, %select_n3A_97 : vector<64x128xi1>, vector<64x128xi32>
    %select_n3A_143 = arith.select %gt3A_140, %select_n3A_96, %select_n3A_138 : vector<64x128xi1>, vector<64x128xf32>
    %select_n3A_144 = arith.select %gt3A_140, %select_n3A_97, %select_n3A_139 : vector<64x128xi1>, vector<64x128xi32>
    %gt3A_145 = arith.cmpf ogt, %select_n3A_143, %select_n3A_101 : vector<64x128xf32>
    %select_n3A_146 = arith.select %gt3A_145, %select_n3A_143, %select_n3A_101 : vector<64x128xi1>, vector<64x128xf32>
    %select_n3A_147 = arith.select %gt3A_145, %select_n3A_144, %select_n3A_102 : vector<64x128xi1>, vector<64x128xi32>
    %select_n3A_148 = arith.select %gt3A_145, %select_n3A_101, %select_n3A_143 : vector<64x128xi1>, vector<64x128xf32>
    %select_n3A_149 = arith.select %gt3A_145, %select_n3A_102, %select_n3A_144 : vector<64x128xi1>, vector<64x128xi32>
    %gt3A_150 = arith.cmpf ogt, %select_n3A_148, %select_n3A_106 : vector<64x128xf32>
    %select_n3A_151 = arith.select %gt3A_150, %select_n3A_148, %select_n3A_106 : vector<64x128xi1>, vector<64x128xf32>
    %select_n3A_152 = arith.select %gt3A_150, %select_n3A_149, %select_n3A_107 : vector<64x128xi1>, vector<64x128xi32>
    %select_n3A_153 = arith.select %gt3A_150, %select_n3A_106, %select_n3A_148 : vector<64x128xi1>, vector<64x128xf32>
    %select_n3A_154 = arith.select %gt3A_150, %select_n3A_107, %select_n3A_149 : vector<64x128xi1>, vector<64x128xi32>
    %gt3A_155 = arith.cmpf ogt, %select_n3A_153, %select_n3A_111 : vector<64x128xf32>
    %select_n3A_156 = arith.select %gt3A_155, %select_n3A_153, %select_n3A_111 : vector<64x128xi1>, vector<64x128xf32>
    %select_n3A_157 = arith.select %gt3A_155, %select_n3A_154, %select_n3A_112 : vector<64x128xi1>, vector<64x128xi32>
    %select_n3A_158 = arith.select %gt3A_155, %select_n3A_111, %select_n3A_153 : vector<64x128xi1>, vector<64x128xf32>
    %select_n3A_159 = arith.select %gt3A_155, %select_n3A_112, %select_n3A_154 : vector<64x128xi1>, vector<64x128xi32>
    %gt3A_160 = arith.cmpf ogt, %select_n3A_158, %select_n3A_116 : vector<64x128xf32>
    %select_n3A_161 = arith.select %gt3A_160, %select_n3A_158, %select_n3A_116 : vector<64x128xi1>, vector<64x128xf32>
    %select_n3A_162 = arith.select %gt3A_160, %select_n3A_159, %select_n3A_117 : vector<64x128xi1>, vector<64x128xi32>
    %select_n3A_163 = arith.select %gt3A_160, %select_n3A_116, %select_n3A_158 : vector<64x128xi1>, vector<64x128xf32>
    %select_n3A_164 = arith.select %gt3A_160, %select_n3A_117, %select_n3A_159 : vector<64x128xi1>, vector<64x128xi32>
    %gt3A_165 = arith.cmpf ogt, %select_n3A_163, %select_n3A_121 : vector<64x128xf32>
    %select_n3A_166 = arith.select %gt3A_165, %select_n3A_163, %select_n3A_121 : vector<64x128xi1>, vector<64x128xf32>
    %select_n3A_167 = arith.select %gt3A_165, %select_n3A_164, %select_n3A_122 : vector<64x128xi1>, vector<64x128xi32>
    %select_n3A_168 = arith.select %gt3A_165, %select_n3A_121, %select_n3A_163 : vector<64x128xi1>, vector<64x128xf32>
    %select_n3A_169 = arith.select %gt3A_165, %select_n3A_122, %select_n3A_164 : vector<64x128xi1>, vector<64x128xi32>
    %gt3A_170 = arith.cmpf ogt, %select_n3A_168, %select_n3A_126 : vector<64x128xf32>
    %select_n3A_171 = arith.select %gt3A_170, %select_n3A_168, %select_n3A_126 : vector<64x128xi1>, vector<64x128xf32>
    %select_n3A_172 = arith.select %gt3A_170, %select_n3A_169, %select_n3A_127 : vector<64x128xi1>, vector<64x128xi32>
    %slice3A_173 = vector.extract_strided_slice %dot_general3A_7 {offsets = [0, 256], sizes = [64, 128], strides = [1, 1]} : vector<64x1280xf32> to vector<64x128xf32>
    %mul3A_174 = arith.constant 1280 : i32
    %mul3A_175 = arith.muli %arg0, %mul3A_174 : i32
    %add3A_176 = arith.constant 256 : i32
    %add3A_177 = arith.addi %mul3A_175, %add3A_176 : i32
    %add3A_178 = vector.broadcast %add3A_177 : i32 to vector<64x128xi32>
    %add3A_179 = arith.addi %add3A_178, %iota3A : vector<64x128xi32>
    %gt3A_180 = arith.cmpf ogt, %slice3A_173, %select_n3A_136 : vector<64x128xf32>
    %select_n3A_181 = arith.select %gt3A_180, %slice3A_173, %select_n3A_136 : vector<64x128xi1>, vector<64x128xf32>
    %select_n3A_182 = arith.select %gt3A_180, %add3A_179, %select_n3A_137 : vector<64x128xi1>, vector<64x128xi32>
    %select_n3A_183 = arith.select %gt3A_180, %select_n3A_136, %slice3A_173 : vector<64x128xi1>, vector<64x128xf32>
    %select_n3A_184 = arith.select %gt3A_180, %select_n3A_137, %add3A_179 : vector<64x128xi1>, vector<64x128xi32>
    %gt3A_185 = arith.cmpf ogt, %select_n3A_183, %select_n3A_141 : vector<64x128xf32>
    %select_n3A_186 = arith.select %gt3A_185, %select_n3A_183, %select_n3A_141 : vector<64x128xi1>, vector<64x128xf32>
    %select_n3A_187 = arith.select %gt3A_185, %select_n3A_184, %select_n3A_142 : vector<64x128xi1>, vector<64x128xi32>
    %select_n3A_188 = arith.select %gt3A_185, %select_n3A_141, %select_n3A_183 : vector<64x128xi1>, vector<64x128xf32>
    %select_n3A_189 = arith.select %gt3A_185, %select_n3A_142, %select_n3A_184 : vector<64x128xi1>, vector<64x128xi32>
    %gt3A_190 = arith.cmpf ogt, %select_n3A_188, %select_n3A_146 : vector<64x128xf32>
    %select_n3A_191 = arith.select %gt3A_190, %select_n3A_188, %select_n3A_146 : vector<64x128xi1>, vector<64x128xf32>
    %select_n3A_192 = arith.select %gt3A_190, %select_n3A_189, %select_n3A_147 : vector<64x128xi1>, vector<64x128xi32>
    %select_n3A_193 = arith.select %gt3A_190, %select_n3A_146, %select_n3A_188 : vector<64x128xi1>, vector<64x128xf32>
    %select_n3A_194 = arith.select %gt3A_190, %select_n3A_147, %select_n3A_189 : vector<64x128xi1>, vector<64x128xi32>
    %gt3A_195 = arith.cmpf ogt, %select_n3A_193, %select_n3A_151 : vector<64x128xf32>
    %select_n3A_196 = arith.select %gt3A_195, %select_n3A_193, %select_n3A_151 : vector<64x128xi1>, vector<64x128xf32>
    %select_n3A_197 = arith.select %gt3A_195, %select_n3A_194, %select_n3A_152 : vector<64x128xi1>, vector<64x128xi32>
    %select_n3A_198 = arith.select %gt3A_195, %select_n3A_151, %select_n3A_193 : vector<64x128xi1>, vector<64x128xf32>
    %select_n3A_199 = arith.select %gt3A_195, %select_n3A_152, %select_n3A_194 : vector<64x128xi1>, vector<64x128xi32>
    %gt3A_200 = arith.cmpf ogt, %select_n3A_198, %select_n3A_156 : vector<64x128xf32>
    %select_n3A_201 = arith.select %gt3A_200, %select_n3A_198, %select_n3A_156 : vector<64x128xi1>, vector<64x128xf32>
    %select_n3A_202 = arith.select %gt3A_200, %select_n3A_199, %select_n3A_157 : vector<64x128xi1>, vector<64x128xi32>
    %select_n3A_203 = arith.select %gt3A_200, %select_n3A_156, %select_n3A_198 : vector<64x128xi1>, vector<64x128xf32>
    %select_n3A_204 = arith.select %gt3A_200, %select_n3A_157, %select_n3A_199 : vector<64x128xi1>, vector<64x128xi32>
    %gt3A_205 = arith.cmpf ogt, %select_n3A_203, %select_n3A_161 : vector<64x128xf32>
    %select_n3A_206 = arith.select %gt3A_205, %select_n3A_203, %select_n3A_161 : vector<64x128xi1>, vector<64x128xf32>
    %select_n3A_207 = arith.select %gt3A_205, %select_n3A_204, %select_n3A_162 : vector<64x128xi1>, vector<64x128xi32>
    %select_n3A_208 = arith.select %gt3A_205, %select_n3A_161, %select_n3A_203 : vector<64x128xi1>, vector<64x128xf32>
    %select_n3A_209 = arith.select %gt3A_205, %select_n3A_162, %select_n3A_204 : vector<64x128xi1>, vector<64x128xi32>
    %gt3A_210 = arith.cmpf ogt, %select_n3A_208, %select_n3A_166 : vector<64x128xf32>
    %select_n3A_211 = arith.select %gt3A_210, %select_n3A_208, %select_n3A_166 : vector<64x128xi1>, vector<64x128xf32>
    %select_n3A_212 = arith.select %gt3A_210, %select_n3A_209, %select_n3A_167 : vector<64x128xi1>, vector<64x128xi32>
    %select_n3A_213 = arith.select %gt3A_210, %select_n3A_166, %select_n3A_208 : vector<64x128xi1>, vector<64x128xf32>
    %select_n3A_214 = arith.select %gt3A_210, %select_n3A_167, %select_n3A_209 : vector<64x128xi1>, vector<64x128xi32>
    %gt3A_215 = arith.cmpf ogt, %select_n3A_213, %select_n3A_171 : vector<64x128xf32>
    %select_n3A_216 = arith.select %gt3A_215, %select_n3A_213, %select_n3A_171 : vector<64x128xi1>, vector<64x128xf32>
    %select_n3A_217 = arith.select %gt3A_215, %select_n3A_214, %select_n3A_172 : vector<64x128xi1>, vector<64x128xi32>
    %slice3A_218 = vector.extract_strided_slice %dot_general3A_7 {offsets = [0, 384], sizes = [64, 128], strides = [1, 1]} : vector<64x1280xf32> to vector<64x128xf32>
    %mul3A_219 = arith.constant 1280 : i32
    %mul3A_220 = arith.muli %arg0, %mul3A_219 : i32
    %add3A_221 = arith.constant 384 : i32
    %add3A_222 = arith.addi %mul3A_220, %add3A_221 : i32
    %add3A_223 = vector.broadcast %add3A_222 : i32 to vector<64x128xi32>
    %add3A_224 = arith.addi %add3A_223, %iota3A : vector<64x128xi32>
    %gt3A_225 = arith.cmpf ogt, %slice3A_218, %select_n3A_181 : vector<64x128xf32>
    %select_n3A_226 = arith.select %gt3A_225, %slice3A_218, %select_n3A_181 : vector<64x128xi1>, vector<64x128xf32>
    %select_n3A_227 = arith.select %gt3A_225, %add3A_224, %select_n3A_182 : vector<64x128xi1>, vector<64x128xi32>
    %select_n3A_228 = arith.select %gt3A_225, %select_n3A_181, %slice3A_218 : vector<64x128xi1>, vector<64x128xf32>
    %select_n3A_229 = arith.select %gt3A_225, %select_n3A_182, %add3A_224 : vector<64x128xi1>, vector<64x128xi32>
    %gt3A_230 = arith.cmpf ogt, %select_n3A_228, %select_n3A_186 : vector<64x128xf32>
    %select_n3A_231 = arith.select %gt3A_230, %select_n3A_228, %select_n3A_186 : vector<64x128xi1>, vector<64x128xf32>
    %select_n3A_232 = arith.select %gt3A_230, %select_n3A_229, %select_n3A_187 : vector<64x128xi1>, vector<64x128xi32>
    %select_n3A_233 = arith.select %gt3A_230, %select_n3A_186, %select_n3A_228 : vector<64x128xi1>, vector<64x128xf32>
    %select_n3A_234 = arith.select %gt3A_230, %select_n3A_187, %select_n3A_229 : vector<64x128xi1>, vector<64x128xi32>
    %gt3A_235 = arith.cmpf ogt, %select_n3A_233, %select_n3A_191 : vector<64x128xf32>
    %select_n3A_236 = arith.select %gt3A_235, %select_n3A_233, %select_n3A_191 : vector<64x128xi1>, vector<64x128xf32>
    %select_n3A_237 = arith.select %gt3A_235, %select_n3A_234, %select_n3A_192 : vector<64x128xi1>, vector<64x128xi32>
    %select_n3A_238 = arith.select %gt3A_235, %select_n3A_191, %select_n3A_233 : vector<64x128xi1>, vector<64x128xf32>
    %select_n3A_239 = arith.select %gt3A_235, %select_n3A_192, %select_n3A_234 : vector<64x128xi1>, vector<64x128xi32>
    %gt3A_240 = arith.cmpf ogt, %select_n3A_238, %select_n3A_196 : vector<64x128xf32>
    %select_n3A_241 = arith.select %gt3A_240, %select_n3A_238, %select_n3A_196 : vector<64x128xi1>, vector<64x128xf32>
    %select_n3A_242 = arith.select %gt3A_240, %select_n3A_239, %select_n3A_197 : vector<64x128xi1>, vector<64x128xi32>
    %select_n3A_243 = arith.select %gt3A_240, %select_n3A_196, %select_n3A_238 : vector<64x128xi1>, vector<64x128xf32>
    %select_n3A_244 = arith.select %gt3A_240, %select_n3A_197, %select_n3A_239 : vector<64x128xi1>, vector<64x128xi32>
    %gt3A_245 = arith.cmpf ogt, %select_n3A_243, %select_n3A_201 : vector<64x128xf32>
    %select_n3A_246 = arith.select %gt3A_245, %select_n3A_243, %select_n3A_201 : vector<64x128xi1>, vector<64x128xf32>
    %select_n3A_247 = arith.select %gt3A_245, %select_n3A_244, %select_n3A_202 : vector<64x128xi1>, vector<64x128xi32>
    %select_n3A_248 = arith.select %gt3A_245, %select_n3A_201, %select_n3A_243 : vector<64x128xi1>, vector<64x128xf32>
    %select_n3A_249 = arith.select %gt3A_245, %select_n3A_202, %select_n3A_244 : vector<64x128xi1>, vector<64x128xi32>
    %gt3A_250 = arith.cmpf ogt, %select_n3A_248, %select_n3A_206 : vector<64x128xf32>
    %select_n3A_251 = arith.select %gt3A_250, %select_n3A_248, %select_n3A_206 : vector<64x128xi1>, vector<64x128xf32>
    %select_n3A_252 = arith.select %gt3A_250, %select_n3A_249, %select_n3A_207 : vector<64x128xi1>, vector<64x128xi32>
    %select_n3A_253 = arith.select %gt3A_250, %select_n3A_206, %select_n3A_248 : vector<64x128xi1>, vector<64x128xf32>
    %select_n3A_254 = arith.select %gt3A_250, %select_n3A_207, %select_n3A_249 : vector<64x128xi1>, vector<64x128xi32>
    %gt3A_255 = arith.cmpf ogt, %select_n3A_253, %select_n3A_211 : vector<64x128xf32>
    %select_n3A_256 = arith.select %gt3A_255, %select_n3A_253, %select_n3A_211 : vector<64x128xi1>, vector<64x128xf32>
    %select_n3A_257 = arith.select %gt3A_255, %select_n3A_254, %select_n3A_212 : vector<64x128xi1>, vector<64x128xi32>
    %select_n3A_258 = arith.select %gt3A_255, %select_n3A_211, %select_n3A_253 : vector<64x128xi1>, vector<64x128xf32>
    %select_n3A_259 = arith.select %gt3A_255, %select_n3A_212, %select_n3A_254 : vector<64x128xi1>, vector<64x128xi32>
    %gt3A_260 = arith.cmpf ogt, %select_n3A_258, %select_n3A_216 : vector<64x128xf32>
    %select_n3A_261 = arith.select %gt3A_260, %select_n3A_258, %select_n3A_216 : vector<64x128xi1>, vector<64x128xf32>
    %select_n3A_262 = arith.select %gt3A_260, %select_n3A_259, %select_n3A_217 : vector<64x128xi1>, vector<64x128xi32>
    %slice3A_263 = vector.extract_strided_slice %dot_general3A_7 {offsets = [0, 512], sizes = [64, 128], strides = [1, 1]} : vector<64x1280xf32> to vector<64x128xf32>
    %mul3A_264 = arith.constant 1280 : i32
    %mul3A_265 = arith.muli %arg0, %mul3A_264 : i32
    %add3A_266 = arith.constant 512 : i32
    %add3A_267 = arith.addi %mul3A_265, %add3A_266 : i32
    %add3A_268 = vector.broadcast %add3A_267 : i32 to vector<64x128xi32>
    %add3A_269 = arith.addi %add3A_268, %iota3A : vector<64x128xi32>
    %gt3A_270 = arith.cmpf ogt, %slice3A_263, %select_n3A_226 : vector<64x128xf32>
    %select_n3A_271 = arith.select %gt3A_270, %slice3A_263, %select_n3A_226 : vector<64x128xi1>, vector<64x128xf32>
    %select_n3A_272 = arith.select %gt3A_270, %add3A_269, %select_n3A_227 : vector<64x128xi1>, vector<64x128xi32>
    %select_n3A_273 = arith.select %gt3A_270, %select_n3A_226, %slice3A_263 : vector<64x128xi1>, vector<64x128xf32>
    %select_n3A_274 = arith.select %gt3A_270, %select_n3A_227, %add3A_269 : vector<64x128xi1>, vector<64x128xi32>
    %gt3A_275 = arith.cmpf ogt, %select_n3A_273, %select_n3A_231 : vector<64x128xf32>
    %select_n3A_276 = arith.select %gt3A_275, %select_n3A_273, %select_n3A_231 : vector<64x128xi1>, vector<64x128xf32>
    %select_n3A_277 = arith.select %gt3A_275, %select_n3A_274, %select_n3A_232 : vector<64x128xi1>, vector<64x128xi32>
    %select_n3A_278 = arith.select %gt3A_275, %select_n3A_231, %select_n3A_273 : vector<64x128xi1>, vector<64x128xf32>
    %select_n3A_279 = arith.select %gt3A_275, %select_n3A_232, %select_n3A_274 : vector<64x128xi1>, vector<64x128xi32>
    %gt3A_280 = arith.cmpf ogt, %select_n3A_278, %select_n3A_236 : vector<64x128xf32>
    %select_n3A_281 = arith.select %gt3A_280, %select_n3A_278, %select_n3A_236 : vector<64x128xi1>, vector<64x128xf32>
    %select_n3A_282 = arith.select %gt3A_280, %select_n3A_279, %select_n3A_237 : vector<64x128xi1>, vector<64x128xi32>
    %select_n3A_283 = arith.select %gt3A_280, %select_n3A_236, %select_n3A_278 : vector<64x128xi1>, vector<64x128xf32>
    %select_n3A_284 = arith.select %gt3A_280, %select_n3A_237, %select_n3A_279 : vector<64x128xi1>, vector<64x128xi32>
    %gt3A_285 = arith.cmpf ogt, %select_n3A_283, %select_n3A_241 : vector<64x128xf32>
    %select_n3A_286 = arith.select %gt3A_285, %select_n3A_283, %select_n3A_241 : vector<64x128xi1>, vector<64x128xf32>
    %select_n3A_287 = arith.select %gt3A_285, %select_n3A_284, %select_n3A_242 : vector<64x128xi1>, vector<64x128xi32>
    %select_n3A_288 = arith.select %gt3A_285, %select_n3A_241, %select_n3A_283 : vector<64x128xi1>, vector<64x128xf32>
    %select_n3A_289 = arith.select %gt3A_285, %select_n3A_242, %select_n3A_284 : vector<64x128xi1>, vector<64x128xi32>
    %gt3A_290 = arith.cmpf ogt, %select_n3A_288, %select_n3A_246 : vector<64x128xf32>
    %select_n3A_291 = arith.select %gt3A_290, %select_n3A_288, %select_n3A_246 : vector<64x128xi1>, vector<64x128xf32>
    %select_n3A_292 = arith.select %gt3A_290, %select_n3A_289, %select_n3A_247 : vector<64x128xi1>, vector<64x128xi32>
    %select_n3A_293 = arith.select %gt3A_290, %select_n3A_246, %select_n3A_288 : vector<64x128xi1>, vector<64x128xf32>
    %select_n3A_294 = arith.select %gt3A_290, %select_n3A_247, %select_n3A_289 : vector<64x128xi1>, vector<64x128xi32>
    %gt3A_295 = arith.cmpf ogt, %select_n3A_293, %select_n3A_251 : vector<64x128xf32>
    %select_n3A_296 = arith.select %gt3A_295, %select_n3A_293, %select_n3A_251 : vector<64x128xi1>, vector<64x128xf32>
    %select_n3A_297 = arith.select %gt3A_295, %select_n3A_294, %select_n3A_252 : vector<64x128xi1>, vector<64x128xi32>
    %select_n3A_298 = arith.select %gt3A_295, %select_n3A_251, %select_n3A_293 : vector<64x128xi1>, vector<64x128xf32>
    %select_n3A_299 = arith.select %gt3A_295, %select_n3A_252, %select_n3A_294 : vector<64x128xi1>, vector<64x128xi32>
    %gt3A_300 = arith.cmpf ogt, %select_n3A_298, %select_n3A_256 : vector<64x128xf32>
    %select_n3A_301 = arith.select %gt3A_300, %select_n3A_298, %select_n3A_256 : vector<64x128xi1>, vector<64x128xf32>
    %select_n3A_302 = arith.select %gt3A_300, %select_n3A_299, %select_n3A_257 : vector<64x128xi1>, vector<64x128xi32>
    %select_n3A_303 = arith.select %gt3A_300, %select_n3A_256, %select_n3A_298 : vector<64x128xi1>, vector<64x128xf32>
    %select_n3A_304 = arith.select %gt3A_300, %select_n3A_257, %select_n3A_299 : vector<64x128xi1>, vector<64x128xi32>
    %gt3A_305 = arith.cmpf ogt, %select_n3A_303, %select_n3A_261 : vector<64x128xf32>
    %select_n3A_306 = arith.select %gt3A_305, %select_n3A_303, %select_n3A_261 : vector<64x128xi1>, vector<64x128xf32>
    %select_n3A_307 = arith.select %gt3A_305, %select_n3A_304, %select_n3A_262 : vector<64x128xi1>, vector<64x128xi32>
    %slice3A_308 = vector.extract_strided_slice %dot_general3A_7 {offsets = [0, 640], sizes = [64, 128], strides = [1, 1]} : vector<64x1280xf32> to vector<64x128xf32>
    %mul3A_309 = arith.constant 1280 : i32
    %mul3A_310 = arith.muli %arg0, %mul3A_309 : i32
    %add3A_311 = arith.constant 640 : i32
    %add3A_312 = arith.addi %mul3A_310, %add3A_311 : i32
    %add3A_313 = vector.broadcast %add3A_312 : i32 to vector<64x128xi32>
    %add3A_314 = arith.addi %add3A_313, %iota3A : vector<64x128xi32>
    %gt3A_315 = arith.cmpf ogt, %slice3A_308, %select_n3A_271 : vector<64x128xf32>
    %select_n3A_316 = arith.select %gt3A_315, %slice3A_308, %select_n3A_271 : vector<64x128xi1>, vector<64x128xf32>
    %select_n3A_317 = arith.select %gt3A_315, %add3A_314, %select_n3A_272 : vector<64x128xi1>, vector<64x128xi32>
    %select_n3A_318 = arith.select %gt3A_315, %select_n3A_271, %slice3A_308 : vector<64x128xi1>, vector<64x128xf32>
    %select_n3A_319 = arith.select %gt3A_315, %select_n3A_272, %add3A_314 : vector<64x128xi1>, vector<64x128xi32>
    %gt3A_320 = arith.cmpf ogt, %select_n3A_318, %select_n3A_276 : vector<64x128xf32>
    %select_n3A_321 = arith.select %gt3A_320, %select_n3A_318, %select_n3A_276 : vector<64x128xi1>, vector<64x128xf32>
    %select_n3A_322 = arith.select %gt3A_320, %select_n3A_319, %select_n3A_277 : vector<64x128xi1>, vector<64x128xi32>
    %select_n3A_323 = arith.select %gt3A_320, %select_n3A_276, %select_n3A_318 : vector<64x128xi1>, vector<64x128xf32>
    %select_n3A_324 = arith.select %gt3A_320, %select_n3A_277, %select_n3A_319 : vector<64x128xi1>, vector<64x128xi32>
    %gt3A_325 = arith.cmpf ogt, %select_n3A_323, %select_n3A_281 : vector<64x128xf32>
    %select_n3A_326 = arith.select %gt3A_325, %select_n3A_323, %select_n3A_281 : vector<64x128xi1>, vector<64x128xf32>
    %select_n3A_327 = arith.select %gt3A_325, %select_n3A_324, %select_n3A_282 : vector<64x128xi1>, vector<64x128xi32>
    %select_n3A_328 = arith.select %gt3A_325, %select_n3A_281, %select_n3A_323 : vector<64x128xi1>, vector<64x128xf32>
    %select_n3A_329 = arith.select %gt3A_325, %select_n3A_282, %select_n3A_324 : vector<64x128xi1>, vector<64x128xi32>
    %gt3A_330 = arith.cmpf ogt, %select_n3A_328, %select_n3A_286 : vector<64x128xf32>
    %select_n3A_331 = arith.select %gt3A_330, %select_n3A_328, %select_n3A_286 : vector<64x128xi1>, vector<64x128xf32>
    %select_n3A_332 = arith.select %gt3A_330, %select_n3A_329, %select_n3A_287 : vector<64x128xi1>, vector<64x128xi32>
    %select_n3A_333 = arith.select %gt3A_330, %select_n3A_286, %select_n3A_328 : vector<64x128xi1>, vector<64x128xf32>
    %select_n3A_334 = arith.select %gt3A_330, %select_n3A_287, %select_n3A_329 : vector<64x128xi1>, vector<64x128xi32>
    %gt3A_335 = arith.cmpf ogt, %select_n3A_333, %select_n3A_291 : vector<64x128xf32>
    %select_n3A_336 = arith.select %gt3A_335, %select_n3A_333, %select_n3A_291 : vector<64x128xi1>, vector<64x128xf32>
    %select_n3A_337 = arith.select %gt3A_335, %select_n3A_334, %select_n3A_292 : vector<64x128xi1>, vector<64x128xi32>
    %select_n3A_338 = arith.select %gt3A_335, %select_n3A_291, %select_n3A_333 : vector<64x128xi1>, vector<64x128xf32>
    %select_n3A_339 = arith.select %gt3A_335, %select_n3A_292, %select_n3A_334 : vector<64x128xi1>, vector<64x128xi32>
    %gt3A_340 = arith.cmpf ogt, %select_n3A_338, %select_n3A_296 : vector<64x128xf32>
    %select_n3A_341 = arith.select %gt3A_340, %select_n3A_338, %select_n3A_296 : vector<64x128xi1>, vector<64x128xf32>
    %select_n3A_342 = arith.select %gt3A_340, %select_n3A_339, %select_n3A_297 : vector<64x128xi1>, vector<64x128xi32>
    %select_n3A_343 = arith.select %gt3A_340, %select_n3A_296, %select_n3A_338 : vector<64x128xi1>, vector<64x128xf32>
    %select_n3A_344 = arith.select %gt3A_340, %select_n3A_297, %select_n3A_339 : vector<64x128xi1>, vector<64x128xi32>
    %gt3A_345 = arith.cmpf ogt, %select_n3A_343, %select_n3A_301 : vector<64x128xf32>
    %select_n3A_346 = arith.select %gt3A_345, %select_n3A_343, %select_n3A_301 : vector<64x128xi1>, vector<64x128xf32>
    %select_n3A_347 = arith.select %gt3A_345, %select_n3A_344, %select_n3A_302 : vector<64x128xi1>, vector<64x128xi32>
    %select_n3A_348 = arith.select %gt3A_345, %select_n3A_301, %select_n3A_343 : vector<64x128xi1>, vector<64x128xf32>
    %select_n3A_349 = arith.select %gt3A_345, %select_n3A_302, %select_n3A_344 : vector<64x128xi1>, vector<64x128xi32>
    %gt3A_350 = arith.cmpf ogt, %select_n3A_348, %select_n3A_306 : vector<64x128xf32>
    %select_n3A_351 = arith.select %gt3A_350, %select_n3A_348, %select_n3A_306 : vector<64x128xi1>, vector<64x128xf32>
    %select_n3A_352 = arith.select %gt3A_350, %select_n3A_349, %select_n3A_307 : vector<64x128xi1>, vector<64x128xi32>
    %slice3A_353 = vector.extract_strided_slice %dot_general3A_7 {offsets = [0, 768], sizes = [64, 128], strides = [1, 1]} : vector<64x1280xf32> to vector<64x128xf32>
    %mul3A_354 = arith.constant 1280 : i32
    %mul3A_355 = arith.muli %arg0, %mul3A_354 : i32
    %add3A_356 = arith.constant 768 : i32
    %add3A_357 = arith.addi %mul3A_355, %add3A_356 : i32
    %add3A_358 = vector.broadcast %add3A_357 : i32 to vector<64x128xi32>
    %add3A_359 = arith.addi %add3A_358, %iota3A : vector<64x128xi32>
    %gt3A_360 = arith.cmpf ogt, %slice3A_353, %select_n3A_316 : vector<64x128xf32>
    %select_n3A_361 = arith.select %gt3A_360, %slice3A_353, %select_n3A_316 : vector<64x128xi1>, vector<64x128xf32>
    %select_n3A_362 = arith.select %gt3A_360, %add3A_359, %select_n3A_317 : vector<64x128xi1>, vector<64x128xi32>
    %select_n3A_363 = arith.select %gt3A_360, %select_n3A_316, %slice3A_353 : vector<64x128xi1>, vector<64x128xf32>
    %select_n3A_364 = arith.select %gt3A_360, %select_n3A_317, %add3A_359 : vector<64x128xi1>, vector<64x128xi32>
    %gt3A_365 = arith.cmpf ogt, %select_n3A_363, %select_n3A_321 : vector<64x128xf32>
    %select_n3A_366 = arith.select %gt3A_365, %select_n3A_363, %select_n3A_321 : vector<64x128xi1>, vector<64x128xf32>
    %select_n3A_367 = arith.select %gt3A_365, %select_n3A_364, %select_n3A_322 : vector<64x128xi1>, vector<64x128xi32>
    %select_n3A_368 = arith.select %gt3A_365, %select_n3A_321, %select_n3A_363 : vector<64x128xi1>, vector<64x128xf32>
    %select_n3A_369 = arith.select %gt3A_365, %select_n3A_322, %select_n3A_364 : vector<64x128xi1>, vector<64x128xi32>
    %gt3A_370 = arith.cmpf ogt, %select_n3A_368, %select_n3A_326 : vector<64x128xf32>
    %select_n3A_371 = arith.select %gt3A_370, %select_n3A_368, %select_n3A_326 : vector<64x128xi1>, vector<64x128xf32>
    %select_n3A_372 = arith.select %gt3A_370, %select_n3A_369, %select_n3A_327 : vector<64x128xi1>, vector<64x128xi32>
    %select_n3A_373 = arith.select %gt3A_370, %select_n3A_326, %select_n3A_368 : vector<64x128xi1>, vector<64x128xf32>
    %select_n3A_374 = arith.select %gt3A_370, %select_n3A_327, %select_n3A_369 : vector<64x128xi1>, vector<64x128xi32>
    %gt3A_375 = arith.cmpf ogt, %select_n3A_373, %select_n3A_331 : vector<64x128xf32>
    %select_n3A_376 = arith.select %gt3A_375, %select_n3A_373, %select_n3A_331 : vector<64x128xi1>, vector<64x128xf32>
    %select_n3A_377 = arith.select %gt3A_375, %select_n3A_374, %select_n3A_332 : vector<64x128xi1>, vector<64x128xi32>
    %select_n3A_378 = arith.select %gt3A_375, %select_n3A_331, %select_n3A_373 : vector<64x128xi1>, vector<64x128xf32>
    %select_n3A_379 = arith.select %gt3A_375, %select_n3A_332, %select_n3A_374 : vector<64x128xi1>, vector<64x128xi32>
    %gt3A_380 = arith.cmpf ogt, %select_n3A_378, %select_n3A_336 : vector<64x128xf32>
    %select_n3A_381 = arith.select %gt3A_380, %select_n3A_378, %select_n3A_336 : vector<64x128xi1>, vector<64x128xf32>
    %select_n3A_382 = arith.select %gt3A_380, %select_n3A_379, %select_n3A_337 : vector<64x128xi1>, vector<64x128xi32>
    %select_n3A_383 = arith.select %gt3A_380, %select_n3A_336, %select_n3A_378 : vector<64x128xi1>, vector<64x128xf32>
    %select_n3A_384 = arith.select %gt3A_380, %select_n3A_337, %select_n3A_379 : vector<64x128xi1>, vector<64x128xi32>
    %gt3A_385 = arith.cmpf ogt, %select_n3A_383, %select_n3A_341 : vector<64x128xf32>
    %select_n3A_386 = arith.select %gt3A_385, %select_n3A_383, %select_n3A_341 : vector<64x128xi1>, vector<64x128xf32>
    %select_n3A_387 = arith.select %gt3A_385, %select_n3A_384, %select_n3A_342 : vector<64x128xi1>, vector<64x128xi32>
    %select_n3A_388 = arith.select %gt3A_385, %select_n3A_341, %select_n3A_383 : vector<64x128xi1>, vector<64x128xf32>
    %select_n3A_389 = arith.select %gt3A_385, %select_n3A_342, %select_n3A_384 : vector<64x128xi1>, vector<64x128xi32>
    %gt3A_390 = arith.cmpf ogt, %select_n3A_388, %select_n3A_346 : vector<64x128xf32>
    %select_n3A_391 = arith.select %gt3A_390, %select_n3A_388, %select_n3A_346 : vector<64x128xi1>, vector<64x128xf32>
    %select_n3A_392 = arith.select %gt3A_390, %select_n3A_389, %select_n3A_347 : vector<64x128xi1>, vector<64x128xi32>
    %select_n3A_393 = arith.select %gt3A_390, %select_n3A_346, %select_n3A_388 : vector<64x128xi1>, vector<64x128xf32>
    %select_n3A_394 = arith.select %gt3A_390, %select_n3A_347, %select_n3A_389 : vector<64x128xi1>, vector<64x128xi32>
    %gt3A_395 = arith.cmpf ogt, %select_n3A_393, %select_n3A_351 : vector<64x128xf32>
    %select_n3A_396 = arith.select %gt3A_395, %select_n3A_393, %select_n3A_351 : vector<64x128xi1>, vector<64x128xf32>
    %select_n3A_397 = arith.select %gt3A_395, %select_n3A_394, %select_n3A_352 : vector<64x128xi1>, vector<64x128xi32>
    %slice3A_398 = vector.extract_strided_slice %dot_general3A_7 {offsets = [0, 896], sizes = [64, 128], strides = [1, 1]} : vector<64x1280xf32> to vector<64x128xf32>
    %mul3A_399 = arith.constant 1280 : i32
    %mul3A_400 = arith.muli %arg0, %mul3A_399 : i32
    %add3A_401 = arith.constant 896 : i32
    %add3A_402 = arith.addi %mul3A_400, %add3A_401 : i32
    %add3A_403 = vector.broadcast %add3A_402 : i32 to vector<64x128xi32>
    %add3A_404 = arith.addi %add3A_403, %iota3A : vector<64x128xi32>
    %gt3A_405 = arith.cmpf ogt, %slice3A_398, %select_n3A_361 : vector<64x128xf32>
    %select_n3A_406 = arith.select %gt3A_405, %slice3A_398, %select_n3A_361 : vector<64x128xi1>, vector<64x128xf32>
    %select_n3A_407 = arith.select %gt3A_405, %add3A_404, %select_n3A_362 : vector<64x128xi1>, vector<64x128xi32>
    %select_n3A_408 = arith.select %gt3A_405, %select_n3A_361, %slice3A_398 : vector<64x128xi1>, vector<64x128xf32>
    %select_n3A_409 = arith.select %gt3A_405, %select_n3A_362, %add3A_404 : vector<64x128xi1>, vector<64x128xi32>
    %gt3A_410 = arith.cmpf ogt, %select_n3A_408, %select_n3A_366 : vector<64x128xf32>
    %select_n3A_411 = arith.select %gt3A_410, %select_n3A_408, %select_n3A_366 : vector<64x128xi1>, vector<64x128xf32>
    %select_n3A_412 = arith.select %gt3A_410, %select_n3A_409, %select_n3A_367 : vector<64x128xi1>, vector<64x128xi32>
    %select_n3A_413 = arith.select %gt3A_410, %select_n3A_366, %select_n3A_408 : vector<64x128xi1>, vector<64x128xf32>
    %select_n3A_414 = arith.select %gt3A_410, %select_n3A_367, %select_n3A_409 : vector<64x128xi1>, vector<64x128xi32>
    %gt3A_415 = arith.cmpf ogt, %select_n3A_413, %select_n3A_371 : vector<64x128xf32>
    %select_n3A_416 = arith.select %gt3A_415, %select_n3A_413, %select_n3A_371 : vector<64x128xi1>, vector<64x128xf32>
    %select_n3A_417 = arith.select %gt3A_415, %select_n3A_414, %select_n3A_372 : vector<64x128xi1>, vector<64x128xi32>
    %select_n3A_418 = arith.select %gt3A_415, %select_n3A_371, %select_n3A_413 : vector<64x128xi1>, vector<64x128xf32>
    %select_n3A_419 = arith.select %gt3A_415, %select_n3A_372, %select_n3A_414 : vector<64x128xi1>, vector<64x128xi32>
    %gt3A_420 = arith.cmpf ogt, %select_n3A_418, %select_n3A_376 : vector<64x128xf32>
    %select_n3A_421 = arith.select %gt3A_420, %select_n3A_418, %select_n3A_376 : vector<64x128xi1>, vector<64x128xf32>
    %select_n3A_422 = arith.select %gt3A_420, %select_n3A_419, %select_n3A_377 : vector<64x128xi1>, vector<64x128xi32>
    %select_n3A_423 = arith.select %gt3A_420, %select_n3A_376, %select_n3A_418 : vector<64x128xi1>, vector<64x128xf32>
    %select_n3A_424 = arith.select %gt3A_420, %select_n3A_377, %select_n3A_419 : vector<64x128xi1>, vector<64x128xi32>
    %gt3A_425 = arith.cmpf ogt, %select_n3A_423, %select_n3A_381 : vector<64x128xf32>
    %select_n3A_426 = arith.select %gt3A_425, %select_n3A_423, %select_n3A_381 : vector<64x128xi1>, vector<64x128xf32>
    %select_n3A_427 = arith.select %gt3A_425, %select_n3A_424, %select_n3A_382 : vector<64x128xi1>, vector<64x128xi32>
    %select_n3A_428 = arith.select %gt3A_425, %select_n3A_381, %select_n3A_423 : vector<64x128xi1>, vector<64x128xf32>
    %select_n3A_429 = arith.select %gt3A_425, %select_n3A_382, %select_n3A_424 : vector<64x128xi1>, vector<64x128xi32>
    %gt3A_430 = arith.cmpf ogt, %select_n3A_428, %select_n3A_386 : vector<64x128xf32>
    %select_n3A_431 = arith.select %gt3A_430, %select_n3A_428, %select_n3A_386 : vector<64x128xi1>, vector<64x128xf32>
    %select_n3A_432 = arith.select %gt3A_430, %select_n3A_429, %select_n3A_387 : vector<64x128xi1>, vector<64x128xi32>
    %select_n3A_433 = arith.select %gt3A_430, %select_n3A_386, %select_n3A_428 : vector<64x128xi1>, vector<64x128xf32>
    %select_n3A_434 = arith.select %gt3A_430, %select_n3A_387, %select_n3A_429 : vector<64x128xi1>, vector<64x128xi32>
    %gt3A_435 = arith.cmpf ogt, %select_n3A_433, %select_n3A_391 : vector<64x128xf32>
    %select_n3A_436 = arith.select %gt3A_435, %select_n3A_433, %select_n3A_391 : vector<64x128xi1>, vector<64x128xf32>
    %select_n3A_437 = arith.select %gt3A_435, %select_n3A_434, %select_n3A_392 : vector<64x128xi1>, vector<64x128xi32>
    %select_n3A_438 = arith.select %gt3A_435, %select_n3A_391, %select_n3A_433 : vector<64x128xi1>, vector<64x128xf32>
    %select_n3A_439 = arith.select %gt3A_435, %select_n3A_392, %select_n3A_434 : vector<64x128xi1>, vector<64x128xi32>
    %gt3A_440 = arith.cmpf ogt, %select_n3A_438, %select_n3A_396 : vector<64x128xf32>
    %select_n3A_441 = arith.select %gt3A_440, %select_n3A_438, %select_n3A_396 : vector<64x128xi1>, vector<64x128xf32>
    %select_n3A_442 = arith.select %gt3A_440, %select_n3A_439, %select_n3A_397 : vector<64x128xi1>, vector<64x128xi32>
    %slice3A_443 = vector.extract_strided_slice %dot_general3A_7 {offsets = [0, 1024], sizes = [64, 128], strides = [1, 1]} : vector<64x1280xf32> to vector<64x128xf32>
    %mul3A_444 = arith.constant 1280 : i32
    %mul3A_445 = arith.muli %arg0, %mul3A_444 : i32
    %add3A_446 = arith.constant 1024 : i32
    %add3A_447 = arith.addi %mul3A_445, %add3A_446 : i32
    %add3A_448 = vector.broadcast %add3A_447 : i32 to vector<64x128xi32>
    %add3A_449 = arith.addi %add3A_448, %iota3A : vector<64x128xi32>
    %gt3A_450 = arith.cmpf ogt, %slice3A_443, %select_n3A_406 : vector<64x128xf32>
    %select_n3A_451 = arith.select %gt3A_450, %slice3A_443, %select_n3A_406 : vector<64x128xi1>, vector<64x128xf32>
    %select_n3A_452 = arith.select %gt3A_450, %add3A_449, %select_n3A_407 : vector<64x128xi1>, vector<64x128xi32>
    %select_n3A_453 = arith.select %gt3A_450, %select_n3A_406, %slice3A_443 : vector<64x128xi1>, vector<64x128xf32>
    %select_n3A_454 = arith.select %gt3A_450, %select_n3A_407, %add3A_449 : vector<64x128xi1>, vector<64x128xi32>
    %gt3A_455 = arith.cmpf ogt, %select_n3A_453, %select_n3A_411 : vector<64x128xf32>
    %select_n3A_456 = arith.select %gt3A_455, %select_n3A_453, %select_n3A_411 : vector<64x128xi1>, vector<64x128xf32>
    %select_n3A_457 = arith.select %gt3A_455, %select_n3A_454, %select_n3A_412 : vector<64x128xi1>, vector<64x128xi32>
    %select_n3A_458 = arith.select %gt3A_455, %select_n3A_411, %select_n3A_453 : vector<64x128xi1>, vector<64x128xf32>
    %select_n3A_459 = arith.select %gt3A_455, %select_n3A_412, %select_n3A_454 : vector<64x128xi1>, vector<64x128xi32>
    %gt3A_460 = arith.cmpf ogt, %select_n3A_458, %select_n3A_416 : vector<64x128xf32>
    %select_n3A_461 = arith.select %gt3A_460, %select_n3A_458, %select_n3A_416 : vector<64x128xi1>, vector<64x128xf32>
    %select_n3A_462 = arith.select %gt3A_460, %select_n3A_459, %select_n3A_417 : vector<64x128xi1>, vector<64x128xi32>
    %select_n3A_463 = arith.select %gt3A_460, %select_n3A_416, %select_n3A_458 : vector<64x128xi1>, vector<64x128xf32>
    %select_n3A_464 = arith.select %gt3A_460, %select_n3A_417, %select_n3A_459 : vector<64x128xi1>, vector<64x128xi32>
    %gt3A_465 = arith.cmpf ogt, %select_n3A_463, %select_n3A_421 : vector<64x128xf32>
    %select_n3A_466 = arith.select %gt3A_465, %select_n3A_463, %select_n3A_421 : vector<64x128xi1>, vector<64x128xf32>
    %select_n3A_467 = arith.select %gt3A_465, %select_n3A_464, %select_n3A_422 : vector<64x128xi1>, vector<64x128xi32>
    %select_n3A_468 = arith.select %gt3A_465, %select_n3A_421, %select_n3A_463 : vector<64x128xi1>, vector<64x128xf32>
    %select_n3A_469 = arith.select %gt3A_465, %select_n3A_422, %select_n3A_464 : vector<64x128xi1>, vector<64x128xi32>
    %gt3A_470 = arith.cmpf ogt, %select_n3A_468, %select_n3A_426 : vector<64x128xf32>
    %select_n3A_471 = arith.select %gt3A_470, %select_n3A_468, %select_n3A_426 : vector<64x128xi1>, vector<64x128xf32>
    %select_n3A_472 = arith.select %gt3A_470, %select_n3A_469, %select_n3A_427 : vector<64x128xi1>, vector<64x128xi32>
    %select_n3A_473 = arith.select %gt3A_470, %select_n3A_426, %select_n3A_468 : vector<64x128xi1>, vector<64x128xf32>
    %select_n3A_474 = arith.select %gt3A_470, %select_n3A_427, %select_n3A_469 : vector<64x128xi1>, vector<64x128xi32>
    %gt3A_475 = arith.cmpf ogt, %select_n3A_473, %select_n3A_431 : vector<64x128xf32>
    %select_n3A_476 = arith.select %gt3A_475, %select_n3A_473, %select_n3A_431 : vector<64x128xi1>, vector<64x128xf32>
    %select_n3A_477 = arith.select %gt3A_475, %select_n3A_474, %select_n3A_432 : vector<64x128xi1>, vector<64x128xi32>
    %select_n3A_478 = arith.select %gt3A_475, %select_n3A_431, %select_n3A_473 : vector<64x128xi1>, vector<64x128xf32>
    %select_n3A_479 = arith.select %gt3A_475, %select_n3A_432, %select_n3A_474 : vector<64x128xi1>, vector<64x128xi32>
    %gt3A_480 = arith.cmpf ogt, %select_n3A_478, %select_n3A_436 : vector<64x128xf32>
    %select_n3A_481 = arith.select %gt3A_480, %select_n3A_478, %select_n3A_436 : vector<64x128xi1>, vector<64x128xf32>
    %select_n3A_482 = arith.select %gt3A_480, %select_n3A_479, %select_n3A_437 : vector<64x128xi1>, vector<64x128xi32>
    %select_n3A_483 = arith.select %gt3A_480, %select_n3A_436, %select_n3A_478 : vector<64x128xi1>, vector<64x128xf32>
    %select_n3A_484 = arith.select %gt3A_480, %select_n3A_437, %select_n3A_479 : vector<64x128xi1>, vector<64x128xi32>
    %gt3A_485 = arith.cmpf ogt, %select_n3A_483, %select_n3A_441 : vector<64x128xf32>
    %select_n3A_486 = arith.select %gt3A_485, %select_n3A_483, %select_n3A_441 : vector<64x128xi1>, vector<64x128xf32>
    %select_n3A_487 = arith.select %gt3A_485, %select_n3A_484, %select_n3A_442 : vector<64x128xi1>, vector<64x128xi32>
    %slice3A_488 = vector.extract_strided_slice %dot_general3A_7 {offsets = [0, 1152], sizes = [64, 128], strides = [1, 1]} : vector<64x1280xf32> to vector<64x128xf32>
    %mul3A_489 = arith.constant 1280 : i32
    %mul3A_490 = arith.muli %arg0, %mul3A_489 : i32
    %add3A_491 = arith.constant 1152 : i32
    %add3A_492 = arith.addi %mul3A_490, %add3A_491 : i32
    %add3A_493 = vector.broadcast %add3A_492 : i32 to vector<64x128xi32>
    %add3A_494 = arith.addi %add3A_493, %iota3A : vector<64x128xi32>
    %gt3A_495 = arith.cmpf ogt, %slice3A_488, %select_n3A_451 : vector<64x128xf32>
    %select_n3A_496 = arith.select %gt3A_495, %slice3A_488, %select_n3A_451 : vector<64x128xi1>, vector<64x128xf32>
    %select_n3A_497 = arith.select %gt3A_495, %add3A_494, %select_n3A_452 : vector<64x128xi1>, vector<64x128xi32>
    %select_n3A_498 = arith.select %gt3A_495, %select_n3A_451, %slice3A_488 : vector<64x128xi1>, vector<64x128xf32>
    %select_n3A_499 = arith.select %gt3A_495, %select_n3A_452, %add3A_494 : vector<64x128xi1>, vector<64x128xi32>
    %gt3A_500 = arith.cmpf ogt, %select_n3A_498, %select_n3A_456 : vector<64x128xf32>
    %select_n3A_501 = arith.select %gt3A_500, %select_n3A_498, %select_n3A_456 : vector<64x128xi1>, vector<64x128xf32>
    %select_n3A_502 = arith.select %gt3A_500, %select_n3A_499, %select_n3A_457 : vector<64x128xi1>, vector<64x128xi32>
    %select_n3A_503 = arith.select %gt3A_500, %select_n3A_456, %select_n3A_498 : vector<64x128xi1>, vector<64x128xf32>
    %select_n3A_504 = arith.select %gt3A_500, %select_n3A_457, %select_n3A_499 : vector<64x128xi1>, vector<64x128xi32>
    %gt3A_505 = arith.cmpf ogt, %select_n3A_503, %select_n3A_461 : vector<64x128xf32>
    %select_n3A_506 = arith.select %gt3A_505, %select_n3A_503, %select_n3A_461 : vector<64x128xi1>, vector<64x128xf32>
    %select_n3A_507 = arith.select %gt3A_505, %select_n3A_504, %select_n3A_462 : vector<64x128xi1>, vector<64x128xi32>
    %select_n3A_508 = arith.select %gt3A_505, %select_n3A_461, %select_n3A_503 : vector<64x128xi1>, vector<64x128xf32>
    %select_n3A_509 = arith.select %gt3A_505, %select_n3A_462, %select_n3A_504 : vector<64x128xi1>, vector<64x128xi32>
    %gt3A_510 = arith.cmpf ogt, %select_n3A_508, %select_n3A_466 : vector<64x128xf32>
    %select_n3A_511 = arith.select %gt3A_510, %select_n3A_508, %select_n3A_466 : vector<64x128xi1>, vector<64x128xf32>
    %select_n3A_512 = arith.select %gt3A_510, %select_n3A_509, %select_n3A_467 : vector<64x128xi1>, vector<64x128xi32>
    %select_n3A_513 = arith.select %gt3A_510, %select_n3A_466, %select_n3A_508 : vector<64x128xi1>, vector<64x128xf32>
    %select_n3A_514 = arith.select %gt3A_510, %select_n3A_467, %select_n3A_509 : vector<64x128xi1>, vector<64x128xi32>
    %gt3A_515 = arith.cmpf ogt, %select_n3A_513, %select_n3A_471 : vector<64x128xf32>
    %select_n3A_516 = arith.select %gt3A_515, %select_n3A_513, %select_n3A_471 : vector<64x128xi1>, vector<64x128xf32>
    %select_n3A_517 = arith.select %gt3A_515, %select_n3A_514, %select_n3A_472 : vector<64x128xi1>, vector<64x128xi32>
    %select_n3A_518 = arith.select %gt3A_515, %select_n3A_471, %select_n3A_513 : vector<64x128xi1>, vector<64x128xf32>
    %select_n3A_519 = arith.select %gt3A_515, %select_n3A_472, %select_n3A_514 : vector<64x128xi1>, vector<64x128xi32>
    %gt3A_520 = arith.cmpf ogt, %select_n3A_518, %select_n3A_476 : vector<64x128xf32>
    %select_n3A_521 = arith.select %gt3A_520, %select_n3A_518, %select_n3A_476 : vector<64x128xi1>, vector<64x128xf32>
    %select_n3A_522 = arith.select %gt3A_520, %select_n3A_519, %select_n3A_477 : vector<64x128xi1>, vector<64x128xi32>
    %select_n3A_523 = arith.select %gt3A_520, %select_n3A_476, %select_n3A_518 : vector<64x128xi1>, vector<64x128xf32>
    %select_n3A_524 = arith.select %gt3A_520, %select_n3A_477, %select_n3A_519 : vector<64x128xi1>, vector<64x128xi32>
    %gt3A_525 = arith.cmpf ogt, %select_n3A_523, %select_n3A_481 : vector<64x128xf32>
    %select_n3A_526 = arith.select %gt3A_525, %select_n3A_523, %select_n3A_481 : vector<64x128xi1>, vector<64x128xf32>
    %select_n3A_527 = arith.select %gt3A_525, %select_n3A_524, %select_n3A_482 : vector<64x128xi1>, vector<64x128xi32>
    %select_n3A_528 = arith.select %gt3A_525, %select_n3A_481, %select_n3A_523 : vector<64x128xi1>, vector<64x128xf32>
    %select_n3A_529 = arith.select %gt3A_525, %select_n3A_482, %select_n3A_524 : vector<64x128xi1>, vector<64x128xi32>
    %gt3A_530 = arith.cmpf ogt, %select_n3A_528, %select_n3A_486 : vector<64x128xf32>
    %select_n3A_531 = arith.select %gt3A_530, %select_n3A_528, %select_n3A_486 : vector<64x128xi1>, vector<64x128xf32>
    %select_n3A_532 = arith.select %gt3A_530, %select_n3A_529, %select_n3A_487 : vector<64x128xi1>, vector<64x128xi32>
    %swap3A = arith.constant 0 : index
    %swap3A_533 = arith.constant 0 : index
    %swap3A_534 = arith.constant 0 : index
    %swap3A_535 = vector.load %arg7[%swap3A, %swap3A_533, %swap3A_534] : memref<8x64x128xf32, #tpu.memory_space<vmem>>, vector<1x64x128xf32>
    %swap3A_536 = vector.shape_cast %swap3A_535 : vector<1x64x128xf32> to vector<64x128xf32>
    %swap3A_537 = vector.shape_cast %select_n3A_496 : vector<64x128xf32> to vector<1x64x128xf32>
    tpu.vector_store %arg7[%swap3A, %swap3A_533, %swap3A_534], %swap3A_537 {strides = array<i32>} : memref<8x64x128xf32, #tpu.memory_space<vmem>>, vector<1x64x128xf32>,
    %swap3A_538 = arith.constant 0 : index
    %swap3A_539 = arith.constant 0 : index
    %swap3A_540 = arith.constant 0 : index
    %swap3A_541 = vector.load %arg8[%swap3A_538, %swap3A_539, %swap3A_540] : memref<8x64x128xi32, #tpu.memory_space<vmem>>, vector<1x64x128xi32>
    %swap3A_542 = vector.shape_cast %swap3A_541 : vector<1x64x128xi32> to vector<64x128xi32>
    %swap3A_543 = vector.shape_cast %select_n3A_497 : vector<64x128xi32> to vector<1x64x128xi32>
    tpu.vector_store %arg8[%swap3A_538, %swap3A_539, %swap3A_540], %swap3A_543 {strides = array<i32>} : memref<8x64x128xi32, #tpu.memory_space<vmem>>, vector<1x64x128xi32>,
    %swap3A_544 = arith.constant 1 : index
    %swap3A_545 = arith.constant 0 : index
    %swap3A_546 = arith.constant 0 : index
    %swap3A_547 = vector.load %arg7[%swap3A_544, %swap3A_545, %swap3A_546] : memref<8x64x128xf32, #tpu.memory_space<vmem>>, vector<1x64x128xf32>
    %swap3A_548 = vector.shape_cast %swap3A_547 : vector<1x64x128xf32> to vector<64x128xf32>
    %swap3A_549 = vector.shape_cast %select_n3A_501 : vector<64x128xf32> to vector<1x64x128xf32>
    tpu.vector_store %arg7[%swap3A_544, %swap3A_545, %swap3A_546], %swap3A_549 {strides = array<i32>} : memref<8x64x128xf32, #tpu.memory_space<vmem>>, vector<1x64x128xf32>,
    %swap3A_550 = arith.constant 1 : index
    %swap3A_551 = arith.constant 0 : index
    %swap3A_552 = arith.constant 0 : index
    %swap3A_553 = vector.load %arg8[%swap3A_550, %swap3A_551, %swap3A_552] : memref<8x64x128xi32, #tpu.memory_space<vmem>>, vector<1x64x128xi32>
    %swap3A_554 = vector.shape_cast %swap3A_553 : vector<1x64x128xi32> to vector<64x128xi32>
    %swap3A_555 = vector.shape_cast %select_n3A_502 : vector<64x128xi32> to vector<1x64x128xi32>
    tpu.vector_store %arg8[%swap3A_550, %swap3A_551, %swap3A_552], %swap3A_555 {strides = array<i32>} : memref<8x64x128xi32, #tpu.memory_space<vmem>>, vector<1x64x128xi32>,
    %swap3A_556 = arith.constant 2 : index
    %swap3A_557 = arith.constant 0 : index
    %swap3A_558 = arith.constant 0 : index
    %swap3A_559 = vector.load %arg7[%swap3A_556, %swap3A_557, %swap3A_558] : memref<8x64x128xf32, #tpu.memory_space<vmem>>, vector<1x64x128xf32>
    %swap3A_560 = vector.shape_cast %swap3A_559 : vector<1x64x128xf32> to vector<64x128xf32>
    %swap3A_561 = vector.shape_cast %select_n3A_506 : vector<64x128xf32> to vector<1x64x128xf32>
    tpu.vector_store %arg7[%swap3A_556, %swap3A_557, %swap3A_558], %swap3A_561 {strides = array<i32>} : memref<8x64x128xf32, #tpu.memory_space<vmem>>, vector<1x64x128xf32>,
    %swap3A_562 = arith.constant 2 : index
    %swap3A_563 = arith.constant 0 : index
    %swap3A_564 = arith.constant 0 : index
    %swap3A_565 = vector.load %arg8[%swap3A_562, %swap3A_563, %swap3A_564] : memref<8x64x128xi32, #tpu.memory_space<vmem>>, vector<1x64x128xi32>
    %swap3A_566 = vector.shape_cast %swap3A_565 : vector<1x64x128xi32> to vector<64x128xi32>
    %swap3A_567 = vector.shape_cast %select_n3A_507 : vector<64x128xi32> to vector<1x64x128xi32>
    tpu.vector_store %arg8[%swap3A_562, %swap3A_563, %swap3A_564], %swap3A_567 {strides = array<i32>} : memref<8x64x128xi32, #tpu.memory_space<vmem>>, vector<1x64x128xi32>,
    %swap3A_568 = arith.constant 3 : index
    %swap3A_569 = arith.constant 0 : index
    %swap3A_570 = arith.constant 0 : index
    %swap3A_571 = vector.load %arg7[%swap3A_568, %swap3A_569, %swap3A_570] : memref<8x64x128xf32, #tpu.memory_space<vmem>>, vector<1x64x128xf32>
    %swap3A_572 = vector.shape_cast %swap3A_571 : vector<1x64x128xf32> to vector<64x128xf32>
    %swap3A_573 = vector.shape_cast %select_n3A_511 : vector<64x128xf32> to vector<1x64x128xf32>
    tpu.vector_store %arg7[%swap3A_568, %swap3A_569, %swap3A_570], %swap3A_573 {strides = array<i32>} : memref<8x64x128xf32, #tpu.memory_space<vmem>>, vector<1x64x128xf32>,
    %swap3A_574 = arith.constant 3 : index
    %swap3A_575 = arith.constant 0 : index
    %swap3A_576 = arith.constant 0 : index
    %swap3A_577 = vector.load %arg8[%swap3A_574, %swap3A_575, %swap3A_576] : memref<8x64x128xi32, #tpu.memory_space<vmem>>, vector<1x64x128xi32>
    %swap3A_578 = vector.shape_cast %swap3A_577 : vector<1x64x128xi32> to vector<64x128xi32>
    %swap3A_579 = vector.shape_cast %select_n3A_512 : vector<64x128xi32> to vector<1x64x128xi32>
    tpu.vector_store %arg8[%swap3A_574, %swap3A_575, %swap3A_576], %swap3A_579 {strides = array<i32>} : memref<8x64x128xi32, #tpu.memory_space<vmem>>, vector<1x64x128xi32>,
    %swap3A_580 = arith.constant 4 : index
    %swap3A_581 = arith.constant 0 : index
    %swap3A_582 = arith.constant 0 : index
    %swap3A_583 = vector.load %arg7[%swap3A_580, %swap3A_581, %swap3A_582] : memref<8x64x128xf32, #tpu.memory_space<vmem>>, vector<1x64x128xf32>
    %swap3A_584 = vector.shape_cast %swap3A_583 : vector<1x64x128xf32> to vector<64x128xf32>
    %swap3A_585 = vector.shape_cast %select_n3A_516 : vector<64x128xf32> to vector<1x64x128xf32>
    tpu.vector_store %arg7[%swap3A_580, %swap3A_581, %swap3A_582], %swap3A_585 {strides = array<i32>} : memref<8x64x128xf32, #tpu.memory_space<vmem>>, vector<1x64x128xf32>,
    %swap3A_586 = arith.constant 4 : index
    %swap3A_587 = arith.constant 0 : index
    %swap3A_588 = arith.constant 0 : index
    %swap3A_589 = vector.load %arg8[%swap3A_586, %swap3A_587, %swap3A_588] : memref<8x64x128xi32, #tpu.memory_space<vmem>>, vector<1x64x128xi32>
    %swap3A_590 = vector.shape_cast %swap3A_589 : vector<1x64x128xi32> to vector<64x128xi32>
    %swap3A_591 = vector.shape_cast %select_n3A_517 : vector<64x128xi32> to vector<1x64x128xi32>
    tpu.vector_store %arg8[%swap3A_586, %swap3A_587, %swap3A_588], %swap3A_591 {strides = array<i32>} : memref<8x64x128xi32, #tpu.memory_space<vmem>>, vector<1x64x128xi32>,
    %swap3A_592 = arith.constant 5 : index
    %swap3A_593 = arith.constant 0 : index
    %swap3A_594 = arith.constant 0 : index
    %swap3A_595 = vector.load %arg7[%swap3A_592, %swap3A_593, %swap3A_594] : memref<8x64x128xf32, #tpu.memory_space<vmem>>, vector<1x64x128xf32>
    %swap3A_596 = vector.shape_cast %swap3A_595 : vector<1x64x128xf32> to vector<64x128xf32>
    %swap3A_597 = vector.shape_cast %select_n3A_521 : vector<64x128xf32> to vector<1x64x128xf32>
    tpu.vector_store %arg7[%swap3A_592, %swap3A_593, %swap3A_594], %swap3A_597 {strides = array<i32>} : memref<8x64x128xf32, #tpu.memory_space<vmem>>, vector<1x64x128xf32>,
    %swap3A_598 = arith.constant 5 : index
    %swap3A_599 = arith.constant 0 : index
    %swap3A_600 = arith.constant 0 : index
    %swap3A_601 = vector.load %arg8[%swap3A_598, %swap3A_599, %swap3A_600] : memref<8x64x128xi32, #tpu.memory_space<vmem>>, vector<1x64x128xi32>
    %swap3A_602 = vector.shape_cast %swap3A_601 : vector<1x64x128xi32> to vector<64x128xi32>
    %swap3A_603 = vector.shape_cast %select_n3A_522 : vector<64x128xi32> to vector<1x64x128xi32>
    tpu.vector_store %arg8[%swap3A_598, %swap3A_599, %swap3A_600], %swap3A_603 {strides = array<i32>} : memref<8x64x128xi32, #tpu.memory_space<vmem>>, vector<1x64x128xi32>,
    %swap3A_604 = arith.constant 6 : index
    %swap3A_605 = arith.constant 0 : index
    %swap3A_606 = arith.constant 0 : index
    %swap3A_607 = vector.load %arg7[%swap3A_604, %swap3A_605, %swap3A_606] : memref<8x64x128xf32, #tpu.memory_space<vmem>>, vector<1x64x128xf32>
    %swap3A_608 = vector.shape_cast %swap3A_607 : vector<1x64x128xf32> to vector<64x128xf32>
    %swap3A_609 = vector.shape_cast %select_n3A_526 : vector<64x128xf32> to vector<1x64x128xf32>
    tpu.vector_store %arg7[%swap3A_604, %swap3A_605, %swap3A_606], %swap3A_609 {strides = array<i32>} : memref<8x64x128xf32, #tpu.memory_space<vmem>>, vector<1x64x128xf32>,
    %swap3A_610 = arith.constant 6 : index
    %swap3A_611 = arith.constant 0 : index
    %swap3A_612 = arith.constant 0 : index
    %swap3A_613 = vector.load %arg8[%swap3A_610, %swap3A_611, %swap3A_612] : memref<8x64x128xi32, #tpu.memory_space<vmem>>, vector<1x64x128xi32>
    %swap3A_614 = vector.shape_cast %swap3A_613 : vector<1x64x128xi32> to vector<64x128xi32>
    %swap3A_615 = vector.shape_cast %select_n3A_527 : vector<64x128xi32> to vector<1x64x128xi32>
    tpu.vector_store %arg8[%swap3A_610, %swap3A_611, %swap3A_612], %swap3A_615 {strides = array<i32>} : memref<8x64x128xi32, #tpu.memory_space<vmem>>, vector<1x64x128xi32>,
    %swap3A_616 = arith.constant 7 : index
    %swap3A_617 = arith.constant 0 : index
    %swap3A_618 = arith.constant 0 : index
    %swap3A_619 = vector.load %arg7[%swap3A_616, %swap3A_617, %swap3A_618] : memref<8x64x128xf32, #tpu.memory_space<vmem>>, vector<1x64x128xf32>
    %swap3A_620 = vector.shape_cast %swap3A_619 : vector<1x64x128xf32> to vector<64x128xf32>
    %swap3A_621 = vector.shape_cast %select_n3A_531 : vector<64x128xf32> to vector<1x64x128xf32>
    tpu.vector_store %arg7[%swap3A_616, %swap3A_617, %swap3A_618], %swap3A_621 {strides = array<i32>} : memref<8x64x128xf32, #tpu.memory_space<vmem>>, vector<1x64x128xf32>,
    %swap3A_622 = arith.constant 7 : index
    %swap3A_623 = arith.constant 0 : index
    %swap3A_624 = arith.constant 0 : index
    %swap3A_625 = vector.load %arg8[%swap3A_622, %swap3A_623, %swap3A_624] : memref<8x64x128xi32, #tpu.memory_space<vmem>>, vector<1x64x128xi32>
    %swap3A_626 = vector.shape_cast %swap3A_625 : vector<1x64x128xi32> to vector<64x128xi32>
    %swap3A_627 = vector.shape_cast %select_n3A_532 : vector<64x128xi32> to vector<1x64x128xi32>
    tpu.vector_store %arg8[%swap3A_622, %swap3A_623, %swap3A_624], %swap3A_627 {strides = array<i32>} : memref<8x64x128xi32, #tpu.memory_space<vmem>>, vector<1x64x128xi32>,
    %get3A_628 = arith.constant 0 : index
    %get3A_629 = arith.constant 0 : index
    %get3A_630 = vector.load %arg5[%get3A_628, %get3A_629] : memref<64x128xf32, #tpu.memory_space<vmem>>, vector<64x1xf32>
    %reduce_max3A = arith.constant dense<0xFF800000> : vector<64xf32>
    %reduce_max3A_631 = vector.multi_reduction <maximumf>, %select_n3A_496, %reduce_max3A [1] : vector<64x128xf32> to vector<64xf32>
    %broadcast_in_dim3A = vector.shape_cast %reduce_max3A_631 : vector<64xf32> to vector<64x1xf32>
    %sub3A = vector.broadcast %broadcast_in_dim3A : vector<64x1xf32> to vector<64x1280xf32>
    %sub3A_632 = arith.subf %dot_general3A_7, %sub3A : vector<64x1280xf32>
    %exp3A = math.exp %sub3A_632 : vector<64x1280xf32>
    %reduce_sum3A = arith.constant dense<0.000000e+00> : vector<64xf32>
    %reduce_sum3A_633 = vector.multi_reduction <add>, %exp3A, %reduce_sum3A [1] : vector<64x1280xf32> to vector<64xf32>
    %broadcast_in_dim3A_634 = vector.shape_cast %reduce_sum3A_633 : vector<64xf32> to vector<64x1xf32>
    %get3A_635 = arith.constant 0 : index
    %get3A_636 = arith.constant 0 : index
    %get3A_637 = vector.load %arg6[%get3A_635, %get3A_636] : memref<64x128xf32, #tpu.memory_space<vmem>>, vector<64x1xf32>
    %sub3A_638 = arith.subf %get3A_630, %broadcast_in_dim3A : vector<64x1xf32>
    %exp3A_639 = math.exp %sub3A_638 : vector<64x1xf32>
    %mul3A_640 = arith.mulf %get3A_637, %exp3A_639 : vector<64x1xf32>
    %add3A_641 = arith.addf %mul3A_640, %broadcast_in_dim3A_634 : vector<64x1xf32>
    %swap3A_642 = arith.constant 0 : index
    %swap3A_643 = arith.constant 0 : index
    %swap3A_644 = vector.load %arg5[%swap3A_642, %swap3A_643] : memref<64x128xf32, #tpu.memory_space<vmem>>, vector<64x1xf32>
    tpu.vector_store %arg5[%swap3A_642, %swap3A_643], %broadcast_in_dim3A {strides = array<i32>} : memref<64x128xf32, #tpu.memory_space<vmem>>, vector<64x1xf32>,
    %swap3A_645 = arith.constant 0 : index
    %swap3A_646 = arith.constant 0 : index
    %swap3A_647 = vector.load %arg6[%swap3A_645, %swap3A_646] : memref<64x128xf32, #tpu.memory_space<vmem>>, vector<64x1xf32>
    tpu.vector_store %arg6[%swap3A_645, %swap3A_646], %add3A_641 {strides = array<i32>} : memref<64x128xf32, #tpu.memory_space<vmem>>, vector<64x1xf32>,
    %eq3A_648 = arith.constant 24 : i32
    %eq3A_649 = arith.cmpi eq, %arg0, %eq3A_648 : i32
    %convert_element_type3A_650 = arith.extui %eq3A_649 : i1 to i32
    %cond3A_651 = arith.constant 0 : i32
    %cond3A_652 = arith.cmpi ne, %convert_element_type3A_650, %cond3A_651 : i32
    scf.if %cond3A_652 {
      %concatenate3A = tpu.concatenate %select_n3A_496, %select_n3A_501, %select_n3A_506, %select_n3A_511, %select_n3A_516, %select_n3A_521, %select_n3A_526, %select_n3A_531 in 1 : vector<64x128xf32>, vector<64x128xf32>, vector<64x128xf32>, vector<64x128xf32>, vector<64x128xf32>, vector<64x128xf32>, vector<64x128xf32>, vector<64x128xf32> -> vector<64x1024xf32>
      %concatenate3A_653 = tpu.concatenate %select_n3A_497, %select_n3A_502, %select_n3A_507, %select_n3A_512, %select_n3A_517, %select_n3A_522, %select_n3A_527, %select_n3A_532 in 1 : vector<64x128xi32>, vector<64x128xi32>, vector<64x128xi32>, vector<64x128xi32>, vector<64x128xi32>, vector<64x128xi32>, vector<64x128xi32>, vector<64x128xi32> -> vector<64x1024xi32>
      %reduce_max3A_654 = arith.constant dense<0xFF800000> : vector<64xf32>
      %reduce_max3A_655 = vector.multi_reduction <maximumf>, %concatenate3A, %reduce_max3A_654 [1] : vector<64x1024xf32> to vector<64xf32>
      %broadcast_in_dim3A_656 = vector.shape_cast %reduce_max3A_655 : vector<64xf32> to vector<64x1xf32>
      %eq3A_657 = vector.broadcast %broadcast_in_dim3A_656 : vector<64x1xf32> to vector<64x1024xf32>
      %eq3A_658 = arith.cmpf oeq, %concatenate3A, %eq3A_657 : vector<64x1024xf32>
      %jit3A = arith.constant 2147483647 : i32
      %broadcast_in_dim3A_659 = vector.broadcast %jit3A : i32 to vector<64x1024xi32>
      %select_n3A_660 = arith.select %eq3A_658, %concatenate3A_653, %broadcast_in_dim3A_659 : vector<64x1024xi1>, vector<64x1024xi32>
      %reduce_min3A = arith.constant dense<2147483647> : vector<64xi32>
      %reduce_min3A_661 = vector.multi_reduction <minsi>, %select_n3A_660, %reduce_min3A [1] : vector<64x1024xi32> to vector<64xi32>
      %broadcast_in_dim3A_662 = vector.shape_cast %reduce_min3A_661 : vector<64xi32> to vector<64x1xi32>
      %eq3A_663 = vector.broadcast %broadcast_in_dim3A_662 : vector<64x1xi32> to vector<64x1024xi32>
      %eq3A_664 = arith.cmpi eq, %concatenate3A_653, %eq3A_663 : vector<64x1024xi32>
      %jit3A_665 = arith.constant 0xFF800000 : f32
      %broadcast_in_dim3A_666 = vector.broadcast %jit3A_665 : f32 to vector<64x1024xf32>
      %select_n3A_667 = arith.select %eq3A_664, %broadcast_in_dim3A_666, %concatenate3A : vector<64x1024xi1>, vector<64x1024xf32>
      %reduce_max3A_668 = arith.constant dense<0xFF800000> : vector<64xf32>
      %reduce_max3A_669 = vector.multi_reduction <maximumf>, %select_n3A_667, %reduce_max3A_668 [1] : vector<64x1024xf32> to vector<64xf32>
      %broadcast_in_dim3A_670 = vector.shape_cast %reduce_max3A_669 : vector<64xf32> to vector<64x1xf32>
      %eq3A_671 = vector.broadcast %broadcast_in_dim3A_670 : vector<64x1xf32> to vector<64x1024xf32>
      %eq3A_672 = arith.cmpf oeq, %select_n3A_667, %eq3A_671 : vector<64x1024xf32>
      %jit3A_673 = arith.constant 2147483647 : i32
      %broadcast_in_dim3A_674 = vector.broadcast %jit3A_673 : i32 to vector<64x1024xi32>
      %select_n3A_675 = arith.select %eq3A_672, %concatenate3A_653, %broadcast_in_dim3A_674 : vector<64x1024xi1>, vector<64x1024xi32>
      %reduce_min3A_676 = arith.constant dense<2147483647> : vector<64xi32>
      %reduce_min3A_677 = vector.multi_reduction <minsi>, %select_n3A_675, %reduce_min3A_676 [1] : vector<64x1024xi32> to vector<64xi32>
      %broadcast_in_dim3A_678 = vector.shape_cast %reduce_min3A_677 : vector<64xi32> to vector<64x1xi32>
      %eq3A_679 = vector.broadcast %broadcast_in_dim3A_678 : vector<64x1xi32> to vector<64x1024xi32>
      %eq3A_680 = arith.cmpi eq, %concatenate3A_653, %eq3A_679 : vector<64x1024xi32>
      %jit3A_681 = arith.constant 0xFF800000 : f32
      %broadcast_in_dim3A_682 = vector.broadcast %jit3A_681 : f32 to vector<64x1024xf32>
      %select_n3A_683 = arith.select %eq3A_680, %broadcast_in_dim3A_682, %select_n3A_667 : vector<64x1024xi1>, vector<64x1024xf32>
      %reduce_max3A_684 = arith.constant dense<0xFF800000> : vector<64xf32>
      %reduce_max3A_685 = vector.multi_reduction <maximumf>, %select_n3A_683, %reduce_max3A_684 [1] : vector<64x1024xf32> to vector<64xf32>
      %broadcast_in_dim3A_686 = vector.shape_cast %reduce_max3A_685 : vector<64xf32> to vector<64x1xf32>
      %eq3A_687 = vector.broadcast %broadcast_in_dim3A_686 : vector<64x1xf32> to vector<64x1024xf32>
      %eq3A_688 = arith.cmpf oeq, %select_n3A_683, %eq3A_687 : vector<64x1024xf32>
      %jit3A_689 = arith.constant 2147483647 : i32
      %broadcast_in_dim3A_690 = vector.broadcast %jit3A_689 : i32 to vector<64x1024xi32>
      %select_n3A_691 = arith.select %eq3A_688, %concatenate3A_653, %broadcast_in_dim3A_690 : vector<64x1024xi1>, vector<64x1024xi32>
      %reduce_min3A_692 = arith.constant dense<2147483647> : vector<64xi32>
      %reduce_min3A_693 = vector.multi_reduction <minsi>, %select_n3A_691, %reduce_min3A_692 [1] : vector<64x1024xi32> to vector<64xi32>
      %broadcast_in_dim3A_694 = vector.shape_cast %reduce_min3A_693 : vector<64xi32> to vector<64x1xi32>
      %eq3A_695 = vector.broadcast %broadcast_in_dim3A_694 : vector<64x1xi32> to vector<64x1024xi32>
      %eq3A_696 = arith.cmpi eq, %concatenate3A_653, %eq3A_695 : vector<64x1024xi32>
      %jit3A_697 = arith.constant 0xFF800000 : f32
      %broadcast_in_dim3A_698 = vector.broadcast %jit3A_697 : f32 to vector<64x1024xf32>
      %select_n3A_699 = arith.select %eq3A_696, %broadcast_in_dim3A_698, %select_n3A_683 : vector<64x1024xi1>, vector<64x1024xf32>
      %reduce_max3A_700 = arith.constant dense<0xFF800000> : vector<64xf32>
      %reduce_max3A_701 = vector.multi_reduction <maximumf>, %select_n3A_699, %reduce_max3A_700 [1] : vector<64x1024xf32> to vector<64xf32>
      %broadcast_in_dim3A_702 = vector.shape_cast %reduce_max3A_701 : vector<64xf32> to vector<64x1xf32>
      %eq3A_703 = vector.broadcast %broadcast_in_dim3A_702 : vector<64x1xf32> to vector<64x1024xf32>
      %eq3A_704 = arith.cmpf oeq, %select_n3A_699, %eq3A_703 : vector<64x1024xf32>
      %jit3A_705 = arith.constant 2147483647 : i32
      %broadcast_in_dim3A_706 = vector.broadcast %jit3A_705 : i32 to vector<64x1024xi32>
      %select_n3A_707 = arith.select %eq3A_704, %concatenate3A_653, %broadcast_in_dim3A_706 : vector<64x1024xi1>, vector<64x1024xi32>
      %reduce_min3A_708 = arith.constant dense<2147483647> : vector<64xi32>
      %reduce_min3A_709 = vector.multi_reduction <minsi>, %select_n3A_707, %reduce_min3A_708 [1] : vector<64x1024xi32> to vector<64xi32>
      %broadcast_in_dim3A_710 = vector.shape_cast %reduce_min3A_709 : vector<64xi32> to vector<64x1xi32>
      %eq3A_711 = vector.broadcast %broadcast_in_dim3A_710 : vector<64x1xi32> to vector<64x1024xi32>
      %eq3A_712 = arith.cmpi eq, %concatenate3A_653, %eq3A_711 : vector<64x1024xi32>
      %jit3A_713 = arith.constant 0xFF800000 : f32
      %broadcast_in_dim3A_714 = vector.broadcast %jit3A_713 : f32 to vector<64x1024xf32>
      %select_n3A_715 = arith.select %eq3A_712, %broadcast_in_dim3A_714, %select_n3A_699 : vector<64x1024xi1>, vector<64x1024xf32>
      %reduce_max3A_716 = arith.constant dense<0xFF800000> : vector<64xf32>
      %reduce_max3A_717 = vector.multi_reduction <maximumf>, %select_n3A_715, %reduce_max3A_716 [1] : vector<64x1024xf32> to vector<64xf32>
      %broadcast_in_dim3A_718 = vector.shape_cast %reduce_max3A_717 : vector<64xf32> to vector<64x1xf32>
      %eq3A_719 = vector.broadcast %broadcast_in_dim3A_718 : vector<64x1xf32> to vector<64x1024xf32>
      %eq3A_720 = arith.cmpf oeq, %select_n3A_715, %eq3A_719 : vector<64x1024xf32>
      %jit3A_721 = arith.constant 2147483647 : i32
      %broadcast_in_dim3A_722 = vector.broadcast %jit3A_721 : i32 to vector<64x1024xi32>
      %select_n3A_723 = arith.select %eq3A_720, %concatenate3A_653, %broadcast_in_dim3A_722 : vector<64x1024xi1>, vector<64x1024xi32>
      %reduce_min3A_724 = arith.constant dense<2147483647> : vector<64xi32>
      %reduce_min3A_725 = vector.multi_reduction <minsi>, %select_n3A_723, %reduce_min3A_724 [1] : vector<64x1024xi32> to vector<64xi32>
      %broadcast_in_dim3A_726 = vector.shape_cast %reduce_min3A_725 : vector<64xi32> to vector<64x1xi32>
      %eq3A_727 = vector.broadcast %broadcast_in_dim3A_726 : vector<64x1xi32> to vector<64x1024xi32>
      %eq3A_728 = arith.cmpi eq, %concatenate3A_653, %eq3A_727 : vector<64x1024xi32>
      %jit3A_729 = arith.constant 0xFF800000 : f32
      %broadcast_in_dim3A_730 = vector.broadcast %jit3A_729 : f32 to vector<64x1024xf32>
      %select_n3A_731 = arith.select %eq3A_728, %broadcast_in_dim3A_730, %select_n3A_715 : vector<64x1024xi1>, vector<64x1024xf32>
      %reduce_max3A_732 = arith.constant dense<0xFF800000> : vector<64xf32>
      %reduce_max3A_733 = vector.multi_reduction <maximumf>, %select_n3A_731, %reduce_max3A_732 [1] : vector<64x1024xf32> to vector<64xf32>
      %broadcast_in_dim3A_734 = vector.shape_cast %reduce_max3A_733 : vector<64xf32> to vector<64x1xf32>
      %eq3A_735 = vector.broadcast %broadcast_in_dim3A_734 : vector<64x1xf32> to vector<64x1024xf32>
      %eq3A_736 = arith.cmpf oeq, %select_n3A_731, %eq3A_735 : vector<64x1024xf32>
      %jit3A_737 = arith.constant 2147483647 : i32
      %broadcast_in_dim3A_738 = vector.broadcast %jit3A_737 : i32 to vector<64x1024xi32>
      %select_n3A_739 = arith.select %eq3A_736, %concatenate3A_653, %broadcast_in_dim3A_738 : vector<64x1024xi1>, vector<64x1024xi32>
      %reduce_min3A_740 = arith.constant dense<2147483647> : vector<64xi32>
      %reduce_min3A_741 = vector.multi_reduction <minsi>, %select_n3A_739, %reduce_min3A_740 [1] : vector<64x1024xi32> to vector<64xi32>
      %broadcast_in_dim3A_742 = vector.shape_cast %reduce_min3A_741 : vector<64xi32> to vector<64x1xi32>
      %eq3A_743 = vector.broadcast %broadcast_in_dim3A_742 : vector<64x1xi32> to vector<64x1024xi32>
      %eq3A_744 = arith.cmpi eq, %concatenate3A_653, %eq3A_743 : vector<64x1024xi32>
      %jit3A_745 = arith.constant 0xFF800000 : f32
      %broadcast_in_dim3A_746 = vector.broadcast %jit3A_745 : f32 to vector<64x1024xf32>
      %select_n3A_747 = arith.select %eq3A_744, %broadcast_in_dim3A_746, %select_n3A_731 : vector<64x1024xi1>, vector<64x1024xf32>
      %reduce_max3A_748 = arith.constant dense<0xFF800000> : vector<64xf32>
      %reduce_max3A_749 = vector.multi_reduction <maximumf>, %select_n3A_747, %reduce_max3A_748 [1] : vector<64x1024xf32> to vector<64xf32>
      %broadcast_in_dim3A_750 = vector.shape_cast %reduce_max3A_749 : vector<64xf32> to vector<64x1xf32>
      %eq3A_751 = vector.broadcast %broadcast_in_dim3A_750 : vector<64x1xf32> to vector<64x1024xf32>
      %eq3A_752 = arith.cmpf oeq, %select_n3A_747, %eq3A_751 : vector<64x1024xf32>
      %jit3A_753 = arith.constant 2147483647 : i32
      %broadcast_in_dim3A_754 = vector.broadcast %jit3A_753 : i32 to vector<64x1024xi32>
      %select_n3A_755 = arith.select %eq3A_752, %concatenate3A_653, %broadcast_in_dim3A_754 : vector<64x1024xi1>, vector<64x1024xi32>
      %reduce_min3A_756 = arith.constant dense<2147483647> : vector<64xi32>
      %reduce_min3A_757 = vector.multi_reduction <minsi>, %select_n3A_755, %reduce_min3A_756 [1] : vector<64x1024xi32> to vector<64xi32>
      %broadcast_in_dim3A_758 = vector.shape_cast %reduce_min3A_757 : vector<64xi32> to vector<64x1xi32>
      %eq3A_759 = vector.broadcast %broadcast_in_dim3A_758 : vector<64x1xi32> to vector<64x1024xi32>
      %eq3A_760 = arith.cmpi eq, %concatenate3A_653, %eq3A_759 : vector<64x1024xi32>
      %jit3A_761 = arith.constant 0xFF800000 : f32
      %broadcast_in_dim3A_762 = vector.broadcast %jit3A_761 : f32 to vector<64x1024xf32>
      %select_n3A_763 = arith.select %eq3A_760, %broadcast_in_dim3A_762, %select_n3A_747 : vector<64x1024xi1>, vector<64x1024xf32>
      %reduce_max3A_764 = arith.constant dense<0xFF800000> : vector<64xf32>
      %reduce_max3A_765 = vector.multi_reduction <maximumf>, %select_n3A_763, %reduce_max3A_764 [1] : vector<64x1024xf32> to vector<64xf32>
      %broadcast_in_dim3A_766 = vector.shape_cast %reduce_max3A_765 : vector<64xf32> to vector<64x1xf32>
      %eq3A_767 = vector.broadcast %broadcast_in_dim3A_766 : vector<64x1xf32> to vector<64x1024xf32>
      %eq3A_768 = arith.cmpf oeq, %select_n3A_763, %eq3A_767 : vector<64x1024xf32>
      %jit3A_769 = arith.constant 2147483647 : i32
      %broadcast_in_dim3A_770 = vector.broadcast %jit3A_769 : i32 to vector<64x1024xi32>
      %select_n3A_771 = arith.select %eq3A_768, %concatenate3A_653, %broadcast_in_dim3A_770 : vector<64x1024xi1>, vector<64x1024xi32>
      %reduce_min3A_772 = arith.constant dense<2147483647> : vector<64xi32>
      %reduce_min3A_773 = vector.multi_reduction <minsi>, %select_n3A_771, %reduce_min3A_772 [1] : vector<64x1024xi32> to vector<64xi32>
      %broadcast_in_dim3A_774 = vector.shape_cast %reduce_min3A_773 : vector<64xi32> to vector<64x1xi32>
      %concatenate3A_775 = tpu.concatenate %broadcast_in_dim3A_656, %broadcast_in_dim3A_670, %broadcast_in_dim3A_686, %broadcast_in_dim3A_702, %broadcast_in_dim3A_718, %broadcast_in_dim3A_734, %broadcast_in_dim3A_750, %broadcast_in_dim3A_766 in 1 : vector<64x1xf32>, vector<64x1xf32>, vector<64x1xf32>, vector<64x1xf32>, vector<64x1xf32>, vector<64x1xf32>, vector<64x1xf32>, vector<64x1xf32> -> vector<64x8xf32>
      %concatenate3A_776 = tpu.concatenate %broadcast_in_dim3A_662, %broadcast_in_dim3A_678, %broadcast_in_dim3A_694, %broadcast_in_dim3A_710, %broadcast_in_dim3A_726, %broadcast_in_dim3A_742, %broadcast_in_dim3A_758, %broadcast_in_dim3A_774 in 1 : vector<64x1xi32>, vector<64x1xi32>, vector<64x1xi32>, vector<64x1xi32>, vector<64x1xi32>, vector<64x1xi32>, vector<64x1xi32>, vector<64x1xi32> -> vector<64x8xi32>
      %log3A = math.log %add3A_641 : vector<64x1xf32>
      %add3A_777 = arith.addf %broadcast_in_dim3A, %log3A : vector<64x1xf32>
      %sub3A_778 = vector.broadcast %add3A_777 : vector<64x1xf32> to vector<64x8xf32>
      %sub3A_779 = arith.subf %concatenate3A_775, %sub3A_778 : vector<64x8xf32>
      %swap3A_780 = arith.constant 0 : index
      %swap3A_781 = arith.constant 0 : index
      %swap3A_782 = vector.load %arg4[%swap3A_780, %swap3A_781] : memref<64x8xf32, #tpu.memory_space<vmem>>, vector<64x8xf32>
      tpu.vector_store %arg4[%swap3A_780, %swap3A_781], %sub3A_779 {strides = array<i32>} : memref<64x8xf32, #tpu.memory_space<vmem>>, vector<64x8xf32>,
      %swap3A_783 = arith.constant 0 : index
      %swap3A_784 = arith.constant 0 : index
      %swap3A_785 = vector.load %arg3[%swap3A_783, %swap3A_784] : memref<64x8xi32, #tpu.memory_space<vmem>>, vector<64x8xi32>
      tpu.vector_store %arg3[%swap3A_783, %swap3A_784], %concatenate3A_776 {strides = array<i32>} : memref<64x8xi32, #tpu.memory_space<vmem>>, vector<64x8xi32>,
    } else {
    }
    return
  }
  func.func @transform_0(%arg0: i32) -> (i32, i32) {
    %c0_i32 = arith.constant 0 : i32
    %c0_i32_0 = arith.constant 0 : i32
    %c0_i32_1 = arith.constant 0 : i32
    return %c0_i32, %c0_i32_0 : i32, i32
  }
  func.func @transform_1(%arg0: i32) -> (i32, i32) {
    %c0_i32 = arith.constant 0 : i32
    %c0_i32_0 = arith.constant 0 : i32
    return %arg0, %c0_i32 : i32, i32
  }
  func.func @transform_2(%arg0: i32) -> (i32, i32) {
    %c0_i32 = arith.constant 0 : i32
    %c0_i32_0 = arith.constant 0 : i32
    %c0_i32_1 = arith.constant 0 : i32
    return %c0_i32, %c0_i32_0 : i32, i32
  }
  func.func @transform_3(%arg0: i32) -> (i32, i32) {
    %c0_i32 = arith.constant 0 : i32
    %c0_i32_0 = arith.constant 0 : i32
    %c0_i32_1 = arith.constant 0 : i32
    return %c0_i32, %c0_i32_0 : i32, i32
  }
}

</mosaic_0001>

<sc_bundles>
// kernel: kernel.4.cloned.1.call-start
scs
__scs_entry_jumppad:
0x0: {  	(pc) =	sbr.rel $0x88, $3  }
0x1: {  	(tag) =	ssettag $0x0;
	lr =	simm.s32 $0x1  }
0x2: {  	[smem:$0x3F9E] =	sst lr;
	_ =	strace $0xD0000000  }
0x3: {  	_ = 	snop  }
0x4: {  	_ = 	snop  }
0x5: {  	_ = 	snop  }
0x6: {  	_ = 	snop  }
0x7: {  	_ = 	snop  }
__scs_overlays_trampoline_lowered:
0x8: {  	[smem:$0x3FAD] =	sst s0  }
0x9: {  	[smem:$0x3FAE] =	sst s1  }
0xa: {  	[smem:$0x3FAF] =	sst s2  }
0xb: {  	[smem:$0x3FB0] =	sst s3  }
0xc: {  	[smem:$0x3FB1] =	sst s4  }
0xd: {  	[smem:$0x3FB2] =	sst s5  }
0xe: {  	[smem:$0x3FB3] =	sst s6  }
0xf: {  	[smem:$0x3FB4] =	sst s7  }
0x10: {  	[smem:$0x3FB5] =	sst s8  }
0x11: {  	[smem:$0x3FB6] =	sst s9;
	s0 =	simm.s32 @!p0 $0x0  }
0x12: {  	s1 =	sld [smem:$0x3F9C];
	s0 =	simm.s32 @p0 $0x1  }
0x13: {  	[smem:$0x3FB7] =	sst s0;
	s0 =	simm.s32 @!p1 $0x0  }
0x14: {  	s2 =	sld [smem:$0x3F9B];
	s0 =	simm.s32 @p1 $0x1  }
0x15: {  	[smem:$0x3FB8] =	sst s0;
	s0 =	simm.s32 @!p2 $0x0  }
0x16: {  	s3 =	sld [smem:$0x3FDB];
	s0 =	simm.s32 @p2 $0x1  }
0x17: {  	s4 =	simm.s32 $0x1BF5;
	[smem:$0x3FBA] =	sst s0  }
0x18: {  	s0 =	sld [smem:$0x3F9D];
	_ =	swait.ge [sflag:s4], $0x0  }
0x19: {  	s7 =	sld [smem:$0x3F9E]  }
0x1a: {  	s8 =	sadd.s32 $0xFFFFE003, lr  }
0x1b: {  	s9 =	sadd.s32 $0xFFFFFEF7, lr;
	s5 =	simm.s32 $0xFFFFFFFF;
	p2 =	slt.u32 s8, $0xFFFFF086  }
0x1c: {  	p1 =	slt.u32 s9, $0xF7A;
	s5 =	simm.s32 @!p2 $0x0  }
0x1d: {  	s5 =	simm.s32 @p1 $0x1;
	p0 =	seq.s32 s7, s2  }
0x1e: {  	s7 =	smul.u32 @!p0 $0xF7A, s2;
	p2 =	seq.s32 @!p0 s5, $0x0  }
0x1f: {  	s9 =	smul.u32 $0xF7A, s1;
	s8 =	simm.s32 @!p0 $0x1BF5;
	p2 =	por !p2, p0  }
0x20: {  	[sflag:s8] =	ssyncset.s32 @!p0 $0xFFFFF086;
	s6 =	sadd.s32 @!p0 s3, s7;
	s7 =	simm.s32 @!p0 $0x108  }
0x21: {  	s3 =	sadd.s32 s3, s9;
	s6 =	sadd.s32 @!p0 $0x88, s6;
	s7 =	simm.s32 @p2 $0x1082  }
0x22: {  	[simem:s7], [sflag:s8] =	dma.local @!p0 [hbm:s6], $0xF7A  }
0x23: {  	s9 =	sor.u32 $0xD0000000, s2;
	s6 =	simm.s32 $0x108;
	_ =	swait.ge @!p0 [sflag:s8], $0x0  }
0x24: {  	s3 =	sadd.s32 $0x88, s3;
	s6 =	simm.s32 @!p1 $0x1082;
	[sflag:s4] =	ssyncset.s32 $0xFFFFF086  }
0x25: {  	[simem:s6], [sflag:s4] =	dma.local [hbm:s3], $0xF7A  }
0x26: {  	[smem:$0x3F9E] =	sst s1;
	(tag) =	ssettag s2;
	_ =	strace s9  }
0x27: {  	s1 =	sld [smem:$0x3FAE]  }
0x28: {  	s2 =	sld [smem:$0x3FAF]  }
0x29: {  	s4 =	sld [smem:$0x3FB1]  }
0x2a: {  	p0 =	seq.s32 s5, $0x0;
	s5 =	sld [smem:$0x3FB2]  }
0x2b: {  	s6 =	sld [smem:$0x3FB3]  }
0x2c: {  	s7 =	sld [smem:$0x3FB4]  }
0x2d: {  	s3 =	simm.s32 $0x108;
	s8 =	sld [smem:$0x3FB5]  }
0x2e: {  	s3 =	simm.s32 @!p0 $0x1082;
	s9 =	sld [smem:$0x3FB6]  }
0x2f: {  	lr =	sadd.s32 s0, s3;
	s0 =	sld [smem:$0x3FAD]  }
0x30: {  	s3 =	sld [smem:$0x3FB0]  }
0x31: {  	[smem:$0x3FB9] =	sst s10  }
0x32: {  	s10 =	sld [smem:$0x3FB7];
	_ =	sdelay $0x3  }
0x33: {  	p0 =	seq.s32 s10, $0x1;
	s10 =	sld [smem:$0x3FB9];
	_ =	sdelay $0x3  }
0x34: {  	[smem:$0x3FB9] =	sst s10  }
0x35: {  	s10 =	sld [smem:$0x3FB8];
	_ =	sdelay $0x3  }
0x36: {  	p1 =	seq.s32 s10, $0x1;
	s10 =	sld [smem:$0x3FB9];
	_ =	sdelay $0x3  }
0x37: {  	[smem:$0x3FB9] =	sst s10  }
0x38: {  	s10 =	sld [smem:$0x3FBA]  }
0x39: {  	_ = 	snop;
	(pc) =	sbr.ind lr, $3  }
0x3a: {  	_ = 	snop  }
0x3b: {  	_ = 	snop  }
0x3c: {  	p2 =	seq.s32 s10, $0x1;
	s10 =	sld [smem:$0x3FB9]  }
0x3d: {  	_ =	shalt  }
0x3e: {  	_ =	shalt  }
0x3f: {  	_ =	shalt  }
0x40: {  	_ =	shalt  }
0x41: {  	_ =	shalt  }
0x42: {  	_ =	shalt  }
0x43: {  	_ =	shalt  }
0x44: {  	_ =	shalt  }
0x45: {  	_ =	shalt  }
0x46: {  	_ =	shalt  }
0x47: {  	_ =	shalt  }
0x48: {  	_ =	shalt  }
0x49: {  	_ =	shalt  }
0x4a: {  	_ =	shalt  }
0x4b: {  	_ =	shalt  }
0x4c: {  	_ =	shalt  }
0x4d: {  	_ =	shalt  }
0x4e: {  	_ =	shalt  }
0x4f: {  	_ =	shalt  }
0x50: {  	_ =	shalt  }
0x51: {  	_ =	shalt  }
0x52: {  	_ =	shalt  }
0x53: {  	_ =	shalt  }
0x54: {  	_ =	shalt  }
0x55: {  	_ =	shalt  }
0x56: {  	_ =	shalt  }
0x57: {  	_ =	shalt  }
0x58: {  	_ =	shalt  }
0x59: {  	_ =	shalt  }
0x5a: {  	_ =	shalt  }
0x5b: {  	_ =	shalt  }
0x5c: {  	_ =	shalt  }
0x5d: {  	_ =	shalt  }
0x5e: {  	_ =	shalt  }
0x5f: {  	_ =	shalt  }
0x60: {  	_ =	shalt  }
0x61: {  	_ =	shalt  }
0x62: {  	_ =	shalt  }
0x63: {  	_ =	shalt  }
0x64: {  	_ =	shalt  }
0x65: {  	_ =	shalt  }
0x66: {  	_ =	shalt  }
0x67: {  	_ =	shalt  }
0x68: {  	_ =	shalt  }
0x69: {  	_ =	shalt  }
0x6a: {  	_ =	shalt  }
0x6b: {  	_ =	shalt  }
0x6c: {  	_ =	shalt  }
0x6d: {  	_ =	shalt  }
0x6e: {  	_ =	shalt  }
0x6f: {  	_ =	shalt  }
0x70: {  	_ =	shalt  }
0x71: {  	_ =	shalt  }
0x72: {  	_ =	shalt  }
0x73: {  	_ =	shalt  }
0x74: {  	_ =	shalt  }
0x75: {  	_ =	shalt  }
0x76: {  	_ =	shalt  }
0x77: {  	_ =	shalt  }
0x78: {  	_ =	shalt  }
0x79: {  	_ =	shalt  }
0x7a: {  	_ =	shalt  }
0x7b: {  	_ =	shalt  }
0x7c: {  	_ =	shalt  }
0x7d: {  	_ =	shalt  }
0x7e: {  	_ =	shalt  }
0x7f: {  	_ =	shalt  }
0x80: {  	_ =	shalt  }
0x81: {  	_ =	shalt  }
0x82: {  	_ =	shalt  }
0x83: {  	_ =	shalt  }
0x84: {  	_ =	shalt  }
0x85: {  	_ =	shalt  }
0x86: {  	_ =	shalt  }
0x87: {  	_ =	shalt  }
.Lfunc_end0:
.L_simem_size_0:
called_computation_lowered:
.L_overlay_start_0:
0x88: {  	s0 =	sld [smem:$0x3FD9]  }
0x89: {  	s1 =	sld [smem:$0x3FFE];
	_ =	sdelay $0x3  }
0x8a: {  	s0 =	sadd.s32 s1, s0  }
0x8b: {  	[smem:$0x3FC5] =	sst s0  }
0x8c: {  	_ = 	snop  }
0x8d: {  	s0 =	sld [smem:$0x3FD0];
	_ =	sdelay $0x2  }
0x8e: {  	s2 =	simm.s32 $0xA;
	s3 =	simm.s32 $0x10;
	s13 =	sld [smem:$0x3FC8]  }
0x8f: {  	[smem:s3], [sflag:s2] =	dma.local [hbm:s0], $0x1  }
0x90: {  	_ =	swait.eq [sflag:s2], $0x1  }
0x91: {  	[sflag:s2] =	ssyncset.done $0x0  }
0x92: {  	[sflag:s2] =	ssyncadd.s32 $0xFFFFFFFF  }
0x93: {  	s14 =	sld [smem:$0x10];
	(tm) =	ssettm $0x1  }
0x94: {  	s15 =	sld [smem:$0x3FFB];
	_ =	sdelay $0x3  }
0x95: {  	_ =	strace s15  }
0x96: {  	s2 =	sld [smem:$0x3FFC];
	_ =	sdelay $0x3  }
0x97: {  	_ =	strace s2  }
0x98: {  	s2 =	sld [smem:$0x3FFD];
	_ =	sdelay $0x3  }
0x99: {  	_ =	strace s2  }
0x9a: {  	_ =	strace $0x8FFFFFFF  }
0x9b: {  	s16 =	sld [smem:$0x3FDB];
	_ =	sdelay $0x1  }
0x9c: {  	s17 =	simm.s32 $_scs_section_size  }
0x9d: {  	s4 =	simm.s32 $_size__tile_overlayer_lowered;
	s5 =	simm.s32 $_tile_overlayer_lowered  }
0x9e: {  	s20 =	simm.s32 $0x1BFF;
	s19 =	sshll.u32 s5, $0x1;
	s2 =	sadd.s32 s17, s16  }
0x9f: {  	s6 =	simm.s32 $0x0;
	s18 =	sshll.u32 s4, $0x1;
	s4 =	sadd.s32 s19, s2  }
0xa0: {  	[timem:s6], [sflag:s20] =	dma.local [hbm:s4], s18  }
0xa1: {  	_ =	swait.ge [sflag:s20], s18  }
0xa2: {  	s3 =	ssub.s32 $0x0, s18;
	[sflag:s20] =	ssyncset.done $0x0  }
0xa3: {  	[sflag:s20] =	ssyncadd.s32 s3;
	_ =	sdelay $0x1  }
0xa4: {  	s21 =	simm.s32 $0x1B8B  }
0xa5: {  	_ =	swait.ge [sflag:s21], $0x1  }
0xa6: {  	[sflag:s21] =	ssyncset.done $0x0  }
0xa7: {  	s23 =	simm.s32 $0x1B8E;
	s22 =	sld [smem:$0x3FFE];
	[sflag:s21] =	ssyncadd.s32 $0xFFFFFFFF  }
0xa8: {  	s24 =	simm.s32 $execute0_lowered;
	[smem:$0x3FD2] =	sst s23  }
0xa9: {  	s4 =	sshll.u32 s24, $0x1;
	_ =	strace $0x80000046;
	[dreg:$0x1] =	wrdreg $0xFFFFFFFF  }
0xaa: {  	s25 =	simm.s32 $_size_execute0_lowered;
	s2 =	sadd.s32 s2, s4;
	[dreg:$0x0] =	wrdreg $0x0  }
0xab: {  	s4 =	sshll.u32 s25, $0x1;
	[dreg:$0x2] =	wrdreg s2  }
0xac: {  	[dreg:$0x3] =	wrdreg s4  }
0xad: {  	[dreg:$0x4] =	wrdreg $0xC0  }
0xae: {  	_ =	task [dreg:s6], $0x5FFFF  }
0xaf: {  	[dreg:$0x1] =	wrdreg $0xFFFFFFFF  }
0xb0: {  	[dreg:$0x0] =	wrdreg $0x60  }
0xb1: {  	[dreg:$0x2] =	wrdreg s13  }
0xb2: {  	[dreg:$0x3] =	wrdreg s14  }
0xb3: {  	[dreg:$0x4] =	wrdreg s22  }
0xb4: {  	[dreg:$0x5] =	wrdreg $0x9  }
0xb5: {  	_ =	task.clear_ibuf [dreg:s6], $0x6FFFF;
	_ =	strace $0x90000046  }
0xb6: {  	s26 =	simm.s32 $0x9;
	_ =	strace $0x80000048  }
0xb7: {  	_ =	swait.ge [sflag:s26], $0x1  }
0xb8: {  	[sflag:s26] =	ssyncadd.s32 $0xFFFFFFFF  }
0xb9: {  	_ =	strace $0x90000048  }
0xba: {  	_ =	sfence  }
0xbb: {  	s28 =	sld [smem:$0x0];
	_ =	sdelay $0x1  }
0xbc: {  	s29 =	srdreg.scid  }
0xbd: {  	s30 =	sshll.u32 s29, $0xD;
	s31 =	sshrl.u32 s29, $0x2  }
0xbe: {  	s1 =	sand.u32 $0x1, s29;
	s2 =	sand.u32 $0x4000, s30;
	s0 =	sadd.s32 s31, s28  }
0xbf: {  	s1 =	sor.u32 s2, s1;
	s0 =	sshll.u32 s0, $0x11  }
0xc0: {  	s0 =	sor.u32 s0, s1  }
0xc1: {  	s0 =	sadd.s32 $0x8F2B, s0  }
0xc2: {  	[sflag:s0] =	ssyncadd.remote.s32 $0x1  }
0xc3: {  	_ =	sfence.sel $0xFFFF  }
0xc4: {  	[dreg:$0x0] =	wrdreg $0xFFFFFFFF;
	(pc) =	sbr.abs _section_cstart, $3  }
0xc5: {  	[dreg:$0x1] =	wrdreg $0xFFFFFFFF  }
0xc6: {  	_ =	task.clear_ibuf [dreg:s6], $0x2FFFF;
	_ =	strace $0x9FFFFFFF  }
0xc7: {  	(tm) =	ssettm $0x7FFFFFFF  }
tec
execute0_lowered:
.L_overlay_start_1:
0x0: {  	(tag) =	ssettag $0x1  }
0x1: {  	s0 =	rddreg [dreg:$0x0]  }
0x2: {  	s1 =	rddreg [dreg:$0x1]  }
0x3: {  	s2 =	rddreg [dreg:$0x2]  }
0x4: {  	s3 =	rddreg [dreg:$0x3];
	s4 =	simm.s32 $0x0;
	s5 =	stileid.u32  }
0x5: {  	[smem:$0x7FF] =	sst s4;
	s6 =	sshll.u32 s5, $0x2  }
0x6: {  	s28 =	simm.s32 $0x2;
	_ =	strace $0x80000047;
	s1 =	sadd.s32 s1, s6  }
0x7: {  	[tilespmem:s4], [sflag:$0x2] =	stream.linear.gather [hbm4b:s1+s4], $0x20, $0x38;
	[tilespmem:$0x180] =	vst v63  }
0x8: {  	_ =	swait.ge [sflag:s28], $0x20  }
0x9: {  	s7 =	simm.s32 $0x20;
	[sflag:s28] =	ssyncset.done $0x0  }
0xa: {  	s8 =	simm.s32 $0x80;
	s29 =	simm.s32 $0x1;
	[sflag:s28] =	ssyncadd.s32 $0xFFFFFFE0  }
0xb: {  	[tilespmem:s8], [sflag:$0x1] =	stream.indirect.gather [hbm4b:s0+s7], $0x1, s4, s7, $0xb8;
	[tilespmem:$0x180] =	vst v63  }
0xc: {  	_ =	swait.ge [sflag:s29], $0x20  }
0xd: {  	[sflag:s29] =	ssyncset.done $0x0  }
0xe: {  	[sflag:s29] =	ssyncadd.s32 $0xFFFFFFE0  }
0xf: {  	v0 =	vld [tilespmem:$0x0]  }
0x10: {  	v1 =	vld [tilespmem:$0x80]  }
0x11: {  	v2 =	vld [tilespmem:$0x10]  }
0x12: {  	v3 =	vld [tilespmem:$0x90];
	_ =	sdelay $0x3  }
0x13: {  	v0 =	vadd.s32 v0, v1  }
0x14: {  	s30 =	sadd.s32 s6, s2;
	v63 =	vadd.s32 v2, v3;
	[tilespmem:$0x100] =	vst v0  }
0x15: {  	s31 =	simm.s32 $0x100;
	s0 =	sadd.s32 $0x800, s30;
	[tilespmem:$0x110] =	vst v63  }
0x16: {  	[hbm4b:s0+s4] =	stream.linear.scatter [tilespmem:s31], [sflag:$0x2], $0x20, $0x38;
	[tilespmem:$0x180] =	vst v63  }
0x17: {  	_ =	swait.ge [sflag:s28], $0x20  }
0x18: {  	[sflag:s28] =	ssyncset.done $0x0  }
0x19: {  	[sflag:s28] =	ssyncadd.s32 $0xFFFFFFE0  }
0x1a: {  	_ =	sfence.sel $0x180000  }
0x1b: {  	[bflag:$0x0] =	sbarrier.arrive $0xFFFF  }
0x1c: {  	p0 =	sne.s32 s5, $0x0;
	_ =	strace $0x90000047  }
0x1d: {  	s0 =	sadd.s32 @!p0 $0x100000, s3;
	[bflag:$0x2] =	sbarrier.arrive $0xFFFF  }
0x1e: {  	[sflag:s0] =	ssyncadd.tile.s32 @!p0 $0x1;
	_ =	shalt  }
.Lfunc_end2:
_tile_overlayer_lowered:
.L_overlay_start_2:
0x1f: {  	(tag) =	ssettag $0x2  }
0x20: {  	s0 =	rddreg [dreg:$0x0];
	s2 =	stileid.u32  }
0x21: {  	s1 =	rddreg [dreg:$0x1];
	p0 =	sne.s32 s2, $0x0  }
0x22: {  	s3 =	rddreg [dreg:$0x2];
	[bflag:$0x3] =	sbarrier.arrive $0xFFFF;
	s2 =	simm.s32 @!p0 $0x1C02  }
0x23: {  	[timem:s3], [sflag:s2] =	dma.local @!p0 [hbm:s0], s1  }
0x24: {  	s0 =	simm.s32 @!p0 $0x2  }
0x25: {  	_ =	swait.ge @!p0 [sflag:s0], s1  }
0x26: {  	s1 =	ssub.s32 @!p0 $0x0, s1;
	[sflag:s0] =	ssyncset.done @!p0 $0x0  }
0x27: {  	[sflag:s0] =	ssyncadd.s32 @!p0 s1  }
0x28: {  	[bflag:$0x3] =	sbarrier.arrive $0xFFFF  }
0x29: {  	_ =	shalt  }

</sc_bundles>
